<compile_context>
chip_gen: v7x
topology: tpu7x:2x2x1
jax: 0.10.2.dev20260603
libtpu: 0.0.44.dev20260713+nightly
codegen_flags: <defaults>
</compile_context>

<pallas_src>
import functools

import jax
import jax.numpy as jnp
from jax import lax
from jax.experimental import pallas as pl
from jax.experimental.pallas import tpu as pltpu
from jax.experimental.pallas import tpu_sc as plsc

_CHUNK = 128
_PACK = 4
_NLAYER = 16


_BW = 4096


def _tc_transpose(embT, n_nodes, node_dim):
    g4 = 4 * _BW
    nblk = -(-n_nodes // g4)
    lane_max = -(-n_nodes // _BW) - 1

    def body(x0_ref, x1_ref, x2_ref, x3_ref, out_ref):
        xb = jnp.concatenate(
            [x0_ref[...], x1_ref[...], x2_ref[...], x3_ref[...]], axis=0
        )
        n = 4 * node_dim
        eye = (
            lax.broadcasted_iota(jnp.int32, (n, n), 0)
            == lax.broadcasted_iota(jnp.int32, (n, n), 1)
        ).astype(jnp.float32)
        out_ref[...] = lax.dot_general(
            xb, eye, (((0,), (0,)), ((), ())), preferred_element_type=jnp.float32
        )

    def make_map(k):
        return lambda i: (0, jnp.minimum(4 * i + k, lane_max))

    return pl.pallas_call(
        body,
        grid=(nblk,),
        in_specs=[
            pl.BlockSpec((node_dim, _BW), make_map(k)) for k in range(4)
        ],
        out_specs=pl.BlockSpec((_BW, 4 * node_dim), lambda i: (i, 0)),
        out_shape=jax.ShapeDtypeStruct((nblk * _BW, 4 * node_dim), jnp.float32),
    )(embT, embT, embT, embT)


def _remap_idx(u):
    g4 = 4 * _BW
    b = u // g4
    s = u - b * g4
    k = s // _BW
    t = s - k * _BW
    return (b * _BW + t) * 4 + k


def _sc_gather(table, idx2d, total_rows, node_dim):
    info = plsc.get_sparse_core_info()
    nc, ns = info.num_cores, info.num_subcores
    nw = nc * ns
    n_chunks = idx2d.shape[0]
    per_w = n_chunks // nw

    grp = next(g for g in (8, 6, 4, 3, 2, 1) if per_w % (2 * g) == 0)
    n_grp_pairs = per_w // (2 * grp)

    @functools.partial(
        pl.kernel,
        mesh=plsc.VectorSubcoreMesh(core_axis_name="c", subcore_axis_name="s"),
        out_type=jax.ShapeDtypeStruct((total_rows, node_dim), jnp.float32),
        scratch_types=[
            pltpu.VMEM((per_w, _CHUNK), jnp.int32),
            pltpu.VMEM((grp * _CHUNK, node_dim), jnp.float32),
            pltpu.VMEM((grp * _CHUNK, node_dim), jnp.float32),
            pltpu.SemaphoreType.DMA,
            pltpu.SemaphoreType.DMA,
            pltpu.SemaphoreType.DMA,
        ],
        compiler_params=pltpu.CompilerParams(use_tc_tiling_on_sc=False),
    )
    def gather_kernel(idx_hbm, table_hbm, out_hbm, idx_v, ring0, ring1, gsem, osem0, osem1):
        wid = lax.axis_index("s") * nc + lax.axis_index("c")
        pltpu.sync_copy(idx_hbm.at[pl.ds(wid * per_w, per_w)], idx_v)
        rings = (ring0, ring1)
        osems = (osem0, osem1)

        def out_slice(g):
            return out_hbm.at[pl.ds((wid * per_w + g * grp) * _CHUNK, grp * _CHUNK)]

        def run_group(g, ring, osem, drain_prev):
            @pl.when(drain_prev)
            def _():
                pltpu.make_async_copy(ring, out_slice(g), osem).wait()

            gathers = [
                pltpu.async_copy(
                    table_hbm.at[idx_v.at[g * grp + b]],
                    ring.at[pl.ds(b * _CHUNK, _CHUNK)],
                    gsem,
                )
                for b in range(grp)
            ]
            for c in gathers:
                c.wait()
            pltpu.async_copy(ring, out_slice(g), osem)

        def body(p, carry):
            run_group(2 * p, rings[0], osems[0], p >= 1)
            run_group(2 * p + 1, rings[1], osems[1], p >= 1)
            return carry

        lax.fori_loop(0, n_grp_pairs, body, 0)
        g_last = 2 * n_grp_pairs - 1
        pltpu.make_async_copy(rings[0], out_slice(g_last - 1), osems[0]).wait()
        pltpu.make_async_copy(rings[1], out_slice(g_last), osems[1]).wait()

    return gather_kernel(idx2d, table)


def _tc_loss(rows_p, tl3, lb3, W, L_pad, n_blocks, m, node_dim):
    lanes = _PACK * node_dim

    def body(ei_ref, ej_ref, tl_ref, lb_ref, w_ref, l_ref, out_ref):
        i = pl.program_id(0)
        f32 = jnp.float32

        wt = w_ref[...]
        wcol = jnp.concatenate([wt] * _PACK, axis=0)
        wfull = jnp.concatenate([wcol] * _PACK, axis=1)
        rblk = lax.broadcasted_iota(jnp.int32, (lanes, lanes), 0) // node_dim
        cblk = lax.broadcasted_iota(jnp.int32, (lanes, lanes), 1) // node_dim
        wbig = wfull * (rblk == cblk).astype(f32)

        lp = l_ref[...]
        lcol = jnp.concatenate([lp] * _PACK, axis=0)
        lrow = lax.broadcasted_iota(jnp.int32, (_PACK * _NLAYER, 1), 0) // _NLAYER
        lbig = jnp.concatenate(
            [lcol * (lrow == k).astype(f32) for k in range(_PACK)], axis=1
        )

        tl_f = tl_ref[0].astype(f32)
        rsel = (
            lax.broadcasted_iota(jnp.int32, (_PACK, _PACK * _NLAYER), 1) // _NLAYER
            == lax.broadcasted_iota(jnp.int32, (_PACK, _PACK * _NLAYER), 0)
        ).astype(f32)
        tl_rep = jnp.dot(tl_f, rsel, preferred_element_type=f32)
        cmod = (
            lax.broadcasted_iota(jnp.int32, (m, _PACK * _NLAYER), 1) % _NLAYER
        ).astype(f32)
        onehot = (jnp.abs(tl_rep - cmod) < 0.5).astype(f32)
        l_packed = jnp.dot(onehot, lbig, preferred_element_type=f32)

        ai = jnp.dot(ei_ref[...], wbig, preferred_element_type=f32)
        aj = jnp.dot(ej_ref[...], wbig, preferred_element_type=f32)
        ri = ai + l_packed
        rj = aj + l_packed
        s = ri * rj

        seg = (
            lax.broadcasted_iota(jnp.int32, (lanes, _PACK), 0) // node_dim
            == lax.broadcasted_iota(jnp.int32, (lanes, _PACK), 1)
        ).astype(f32)
        ip = jnp.dot(s, seg, preferred_element_type=f32)

        x = lb_ref[0] * ip
        ls = jnp.minimum(x, 0.0) - jnp.log1p(jnp.exp(-jnp.abs(x)))
        part = -jnp.sum(ls, keepdims=True)[:1, :1]

        @pl.when(i == 0)
        def _():
            out_ref[...] = jnp.zeros_like(out_ref)

        out_ref[...] += part

    out = pl.pallas_call(
        body,
        grid=(n_blocks,),
        in_specs=[
            pl.BlockSpec((m, lanes), lambda i: (i, 0)),
            pl.BlockSpec((m, lanes), lambda i: (i + n_blocks, 0)),
            pl.BlockSpec((1, m, _PACK), lambda i: (i, 0, 0)),
            pl.BlockSpec((1, m, _PACK), lambda i: (i, 0, 0)),
            pl.BlockSpec(W.shape, lambda i: (0, 0)),
            pl.BlockSpec((_NLAYER, node_dim), lambda i: (0, 0)),
        ],
        out_specs=pl.BlockSpec((1, 1), lambda i: (0, 0)),
        out_shape=jax.ShapeDtypeStruct((1, 1), jnp.float32),
    )(rows_p, rows_p, tl3, lb3, W, L_pad)
    return out[0, 0]


def kernel(u_i, u_j, this_layer, label, embedding, L_embedding, W):
    b = u_i.shape[0]
    n_nodes, node_dim = embedding.shape
    t2 = _tc_transpose(embedding.T, n_nodes, node_dim)
    lin_table = t2.reshape(-1, node_dim)
    rho_i = _remap_idx(u_i)
    rho_j = _remap_idx(u_j)

    lanes = _PACK * node_dim
    blk = 8192
    L_pad = jnp.zeros((_NLAYER, L_embedding.shape[1]), jnp.float32)
    L_pad = L_pad.at[: L_embedding.shape[0]].set(L_embedding)

    idx2d = jnp.concatenate([rho_i, rho_j]).reshape(-1, _CHUNK)
    rows = _sc_gather(lin_table, idx2d, 2 * b, node_dim)
    nb = b // blk
    m = blk // _PACK
    rows_p = rows.reshape(2 * b // _PACK, lanes)
    tl3 = this_layer.reshape(nb, m, _PACK)
    lb3 = label.reshape(nb, m, _PACK)
    return _tc_loss(rows_p, tl3, lb3, W, L_pad, nb, m, node_dim)

# --- scband reference (transcript-rebuilt; emitter-appended) ---
"""Pipeline reference for scband-multi-network-emb-55362128445548 (READ-ONLY COPY).

The authoritative reference and input builder live on the scoring server;
editing this copy changes nothing except your own understanding.
"""

import jax, jax.numpy as jnp
import numpy as np

NUM_NODES = 1000000
NODE_DIM = 32
NUM_LAYER = 10
LAYER_DIM = 32
B = 98304


def _l2norm(x):
    return x / jnp.maximum(jnp.linalg.norm(x, axis=1, keepdims=True), 1e-12)


def setup_inputs(seed: int = 0) -> dict:
    key = jax.random.key(seed)
    k1, k2, k3, k4, k5, k6, k7 = jax.random.split(key, 7)
    embedding = _l2norm(jax.random.truncated_normal(k1, -2.0, 2.0, (NUM_NODES, NODE_DIM), jnp.float32) * 0.3)
    L_embedding = _l2norm(jax.random.truncated_normal(k2, -2.0, 2.0, (NUM_LAYER + 1, LAYER_DIM), jnp.float32) * 0.3)
    W = _l2norm(jax.random.truncated_normal(k3, -2.0, 2.0, (NODE_DIM, LAYER_DIM), jnp.float32) * 0.3)
    u_i = jax.random.randint(k4, (B,), 0, NUM_NODES, dtype=jnp.int32)
    u_j = jax.random.randint(k5, (B,), 0, NUM_NODES, dtype=jnp.int32)
    this_layer = jax.random.randint(k6, (B,), 0, NUM_LAYER + 1, dtype=jnp.int32)
    label = jax.random.normal(k7, (B,), jnp.float32)
    return {"u_i": u_i, "u_j": u_j, "this_layer": this_layer, "label": label,
            "embedding": embedding, "L_embedding": L_embedding, "W": W}


def reference(u_i, u_j, this_layer, label, embedding, L_embedding, W):
    u_i_embedding = jnp.take(embedding, u_i, axis=0)
    u_j_embedding = jnp.take(embedding, u_j, axis=0)
    u_i_embedding = jnp.matmul(u_i_embedding, W)
    u_j_embedding = jnp.matmul(u_j_embedding, W)
    l_i_embedding = jnp.take(L_embedding, this_layer, axis=0)
    r_i = u_i_embedding + l_i_embedding
    r_j = u_j_embedding + l_i_embedding
    inner_product = jnp.sum(r_i * r_j, axis=1)
    loss = -jnp.sum(jax.nn.log_sigmoid(label * inner_product))
    return loss

if __name__ == "__main__":
    import jax
    _d = setup_inputs()
    print(jax.jit(kernel)(*tuple(_d.values())))

</pallas_src>

<mosaic_0001>
#map = affine_map<(d0, d1) -> (0, 0)>
module attributes {stable_mosaic.version = 14 : i64} {
  func.func @gather_kernel(%arg0: i32, %arg1: i32, %arg2: memref<1536x128xi32, #tpu.memory_space<hbm>>, %arg3: memref<1015808x32xf32, #tpu.memory_space<hbm>>, %arg4: memref<196608x32xf32, #tpu.memory_space<hbm>>, %arg5: memref<48x128xi32, #tpu.memory_space<vmem>>, %arg6: memref<1024x32xf32, #tpu.memory_space<vmem>>, %arg7: memref<1024x32xf32, #tpu.memory_space<vmem>>, %arg8: memref<!tpu.dma_semaphore, #tpu.memory_space<semaphore_mem>>, %arg9: memref<!tpu.dma_semaphore, #tpu.memory_space<semaphore_mem>>, %arg10: memref<!tpu.dma_semaphore, #tpu.memory_space<semaphore_mem>>) attributes {dimension_semantics = [#tpu.dimension_semantics<core_parallel>, #tpu.dimension_semantics<subcore_parallel>], iteration_bounds = array<i64: 2, 16>, scalar_prefetch = 0 : i64, scratch_operands = 6 : i64, tpu.core_type = #tpu.core_type<sc_vector_subcore>, window_params = [{transform_indices = #map}, {transform_indices = #map}, {transform_indices = #map}]} {
    %mul3A = arith.constant 2 : i32
    %mul3A_0 = arith.muli %arg1, %mul3A : i32
    %add3A = arith.addi %mul3A_0, %arg0 : i32
    %mul3A_1 = arith.constant 48 : i32
    %mul3A_2 = arith.muli %add3A, %mul3A_1 : i32
    "tpu.region"() ({
      %run_scoped3A = tpu.sem_alloc : memref<!tpu.dma_semaphore, #tpu.memory_space<semaphore_mem>>
      %dma_start3A = arith.constant 0 : i32
      %dma_start3A_27 = tpu.memref_slice %arg2[%mul3A_2, %dma_start3A] : memref<1536x128xi32, #tpu.memory_space<hbm>> -> memref<48x128xi32, #tpu.memory_space<hbm>>
      %dma_start3A_28 = arith.constant 0 : i32
      %dma_start3A_29 = tpu.memref_slice %arg2[%mul3A_2, %dma_start3A_28] : memref<1536x128xi32, #tpu.memory_space<hbm>> -> memref<48x128xi32, #tpu.memory_space<hbm>>
      tpu.enqueue_dma source(%dma_start3A_29 : memref<48x128xi32, #tpu.memory_space<hbm>>) target(%arg5 : memref<48x128xi32, #tpu.memory_space<vmem>>) target_semaphore(%run_scoped3A : memref<!tpu.dma_semaphore, #tpu.memory_space<semaphore_mem>>)
      %dma_wait3A_30 = arith.constant 0 : i32
      %dma_wait3A_31 = tpu.memref_slice %arg2[%mul3A_2, %dma_wait3A_30] : memref<1536x128xi32, #tpu.memory_space<hbm>> -> memref<48x128xi32, #tpu.memory_space<hbm>>
      %dma_wait3A_32 = arith.constant 0 : i32
      %dma_wait3A_33 = tpu.memref_slice %arg2[%mul3A_2, %dma_wait3A_32] : memref<1536x128xi32, #tpu.memory_space<hbm>> -> memref<48x128xi32, #tpu.memory_space<hbm>>
      tpu.wait_dma2 semaphore(%run_scoped3A : memref<!tpu.dma_semaphore, #tpu.memory_space<semaphore_mem>>) src(%dma_wait3A_33 : memref<48x128xi32, #tpu.memory_space<hbm>>) dst(%arg5 : memref<48x128xi32, #tpu.memory_space<vmem>>)
      tpu.yield
    }) : () -> ()
    %scan3A = arith.constant 0 : i32
    %scan3A_3 = arith.constant 0 : i32
    %scan3A_4 = arith.constant 3 : i32
    %scan3A_5 = arith.addi %scan3A_3, %scan3A_4 : i32
    %scan3A_6 = arith.constant 1 : i32
    scf.for %scan3A_27 = %scan3A_3 to %scan3A_5 step %scan3A_6  : i32 {
      %mul3A_28 = arith.constant 2 : i32
      %mul3A_29 = arith.muli %mul3A_28, %scan3A_27 : i32
      %ge3A = arith.constant 1 : i32
      %ge3A_30 = arith.cmpi sge, %scan3A_27, %ge3A : i32
      %convert_element_type3A = arith.extui %ge3A_30 : i1 to i32
      %cond3A = arith.constant 0 : i32
      %cond3A_31 = arith.cmpi ne, %convert_element_type3A, %cond3A : i32
      scf.if %cond3A_31 {
        %mul3A_414 = arith.constant 48 : i32
        %mul3A_415 = arith.muli %add3A, %mul3A_414 : i32
        %mul3A_416 = arith.constant 8 : i32
        %mul3A_417 = arith.muli %mul3A_29, %mul3A_416 : i32
        %add3A_418 = arith.addi %mul3A_415, %mul3A_417 : i32
        %mul3A_419 = arith.constant 128 : i32
        %mul3A_420 = arith.muli %add3A_418, %mul3A_419 : i32
        %dma_wait3A_421 = arith.constant 0 : i32
        %dma_wait3A_422 = tpu.memref_slice %arg4[%mul3A_420, %dma_wait3A_421] : memref<196608x32xf32, #tpu.memory_space<hbm>> -> memref<1024x32xf32, #tpu.memory_space<hbm>>
        %dma_wait3A_423 = arith.constant 0 : i32
        %dma_wait3A_424 = tpu.memref_slice %arg4[%mul3A_420, %dma_wait3A_423] : memref<196608x32xf32, #tpu.memory_space<hbm>> -> memref<1024x32xf32, #tpu.memory_space<hbm>>
        tpu.wait_dma2 semaphore(%arg9 : memref<!tpu.dma_semaphore, #tpu.memory_space<semaphore_mem>>) src(%arg6 : memref<1024x32xf32, #tpu.memory_space<vmem>>) dst(%dma_wait3A_424 : memref<1024x32xf32, #tpu.memory_space<hbm>>)
      } else {
      }
      %mul3A_32 = arith.constant 8 : i32
      %mul3A_33 = arith.muli %mul3A_29, %mul3A_32 : i32
      %add3A_34 = arith.constant 0 : i32
      %add3A_35 = arith.addi %mul3A_33, %add3A_34 : i32
      %dma_start3A = arith.constant 0 : i32
      %dma_start3A_36 = arith.constant 0 : i32
      %dma_start3A_37 = tpu.memref_slice %arg6[%dma_start3A, %dma_start3A_36] : memref<1024x32xf32, #tpu.memory_space<vmem>> -> memref<128x32xf32, #tpu.memory_space<vmem>>
      %dma_start3A_38 = arith.constant 0 : i32
      %dma_start3A_39 = tpu.memref_slice %arg5[%add3A_35, %dma_start3A_38] : memref<48x128xi32, #tpu.memory_space<vmem>> -> memref<1x128xi32, #tpu.memory_space<vmem>>
      %dma_start3A_40 = tpu.memref_squeeze %dma_start3A_39 : memref<1x128xi32, #tpu.memory_space<vmem>> -> memref<128xi32, #tpu.memory_space<vmem>>
      %dma_start3A_41 = arith.constant 0 : i32
      %dma_start3A_42 = arith.constant 0 : i32
      %dma_start3A_43 = tpu.memref_slice %arg3[%dma_start3A_41, %dma_start3A_42] : memref<1015808x32xf32, #tpu.memory_space<hbm>> -> memref<1015808x32xf32, #tpu.memory_space<hbm>>
      tpu.enqueue_indirect_dma source(%dma_start3A_43 : memref<1015808x32xf32, #tpu.memory_space<hbm>>) target(%dma_start3A_37 : memref<128x32xf32, #tpu.memory_space<vmem>>) offsets(%dma_start3A_40 : memref<128xi32, #tpu.memory_space<vmem>>) semaphore(%arg8 : memref<!tpu.dma_semaphore, #tpu.memory_space<semaphore_mem>>)
      %mul3A_44 = arith.constant 8 : i32
      %mul3A_45 = arith.muli %mul3A_29, %mul3A_44 : i32
      %add3A_46 = arith.constant 1 : i32
      %add3A_47 = arith.addi %mul3A_45, %add3A_46 : i32
      %dma_start3A_48 = arith.constant 128 : i32
      %dma_start3A_49 = arith.constant 0 : i32
      %dma_start3A_50 = tpu.memref_slice %arg6[%dma_start3A_48, %dma_start3A_49] : memref<1024x32xf32, #tpu.memory_space<vmem>> -> memref<128x32xf32, #tpu.memory_space<vmem>>
      %dma_start3A_51 = arith.constant 0 : i32
      %dma_start3A_52 = tpu.memref_slice %arg5[%add3A_47, %dma_start3A_51] : memref<48x128xi32, #tpu.memory_space<vmem>> -> memref<1x128xi32, #tpu.memory_space<vmem>>
      %dma_start3A_53 = tpu.memref_squeeze %dma_start3A_52 : memref<1x128xi32, #tpu.memory_space<vmem>> -> memref<128xi32, #tpu.memory_space<vmem>>
      %dma_start3A_54 = arith.constant 0 : i32
      %dma_start3A_55 = arith.constant 0 : i32
      %dma_start3A_56 = tpu.memref_slice %arg3[%dma_start3A_54, %dma_start3A_55] : memref<1015808x32xf32, #tpu.memory_space<hbm>> -> memref<1015808x32xf32, #tpu.memory_space<hbm>>
      tpu.enqueue_indirect_dma source(%dma_start3A_56 : memref<1015808x32xf32, #tpu.memory_space<hbm>>) target(%dma_start3A_50 : memref<128x32xf32, #tpu.memory_space<vmem>>) offsets(%dma_start3A_53 : memref<128xi32, #tpu.memory_space<vmem>>) semaphore(%arg8 : memref<!tpu.dma_semaphore, #tpu.memory_space<semaphore_mem>>)
      %mul3A_57 = arith.constant 8 : i32
      %mul3A_58 = arith.muli %mul3A_29, %mul3A_57 : i32
      %add3A_59 = arith.constant 2 : i32
      %add3A_60 = arith.addi %mul3A_58, %add3A_59 : i32
      %dma_start3A_61 = arith.constant 256 : i32
      %dma_start3A_62 = arith.constant 0 : i32
      %dma_start3A_63 = tpu.memref_slice %arg6[%dma_start3A_61, %dma_start3A_62] : memref<1024x32xf32, #tpu.memory_space<vmem>> -> memref<128x32xf32, #tpu.memory_space<vmem>>
      %dma_start3A_64 = arith.constant 0 : i32
      %dma_start3A_65 = tpu.memref_slice %arg5[%add3A_60, %dma_start3A_64] : memref<48x128xi32, #tpu.memory_space<vmem>> -> memref<1x128xi32, #tpu.memory_space<vmem>>
      %dma_start3A_66 = tpu.memref_squeeze %dma_start3A_65 : memref<1x128xi32, #tpu.memory_space<vmem>> -> memref<128xi32, #tpu.memory_space<vmem>>
      %dma_start3A_67 = arith.constant 0 : i32
      %dma_start3A_68 = arith.constant 0 : i32
      %dma_start3A_69 = tpu.memref_slice %arg3[%dma_start3A_67, %dma_start3A_68] : memref<1015808x32xf32, #tpu.memory_space<hbm>> -> memref<1015808x32xf32, #tpu.memory_space<hbm>>
      tpu.enqueue_indirect_dma source(%dma_start3A_69 : memref<1015808x32xf32, #tpu.memory_space<hbm>>) target(%dma_start3A_63 : memref<128x32xf32, #tpu.memory_space<vmem>>) offsets(%dma_start3A_66 : memref<128xi32, #tpu.memory_space<vmem>>) semaphore(%arg8 : memref<!tpu.dma_semaphore, #tpu.memory_space<semaphore_mem>>)
      %mul3A_70 = arith.constant 8 : i32
      %mul3A_71 = arith.muli %mul3A_29, %mul3A_70 : i32
      %add3A_72 = arith.constant 3 : i32
      %add3A_73 = arith.addi %mul3A_71, %add3A_72 : i32
      %dma_start3A_74 = arith.constant 384 : i32
      %dma_start3A_75 = arith.constant 0 : i32
      %dma_start3A_76 = tpu.memref_slice %arg6[%dma_start3A_74, %dma_start3A_75] : memref<1024x32xf32, #tpu.memory_space<vmem>> -> memref<128x32xf32, #tpu.memory_space<vmem>>
      %dma_start3A_77 = arith.constant 0 : i32
      %dma_start3A_78 = tpu.memref_slice %arg5[%add3A_73, %dma_start3A_77] : memref<48x128xi32, #tpu.memory_space<vmem>> -> memref<1x128xi32, #tpu.memory_space<vmem>>
      %dma_start3A_79 = tpu.memref_squeeze %dma_start3A_78 : memref<1x128xi32, #tpu.memory_space<vmem>> -> memref<128xi32, #tpu.memory_space<vmem>>
      %dma_start3A_80 = arith.constant 0 : i32
      %dma_start3A_81 = arith.constant 0 : i32
      %dma_start3A_82 = tpu.memref_slice %arg3[%dma_start3A_80, %dma_start3A_81] : memref<1015808x32xf32, #tpu.memory_space<hbm>> -> memref<1015808x32xf32, #tpu.memory_space<hbm>>
      tpu.enqueue_indirect_dma source(%dma_start3A_82 : memref<1015808x32xf32, #tpu.memory_space<hbm>>) target(%dma_start3A_76 : memref<128x32xf32, #tpu.memory_space<vmem>>) offsets(%dma_start3A_79 : memref<128xi32, #tpu.memory_space<vmem>>) semaphore(%arg8 : memref<!tpu.dma_semaphore, #tpu.memory_space<semaphore_mem>>)
      %mul3A_83 = arith.constant 8 : i32
      %mul3A_84 = arith.muli %mul3A_29, %mul3A_83 : i32
      %add3A_85 = arith.constant 4 : i32
      %add3A_86 = arith.addi %mul3A_84, %add3A_85 : i32
      %dma_start3A_87 = arith.constant 512 : i32
      %dma_start3A_88 = arith.constant 0 : i32
      %dma_start3A_89 = tpu.memref_slice %arg6[%dma_start3A_87, %dma_start3A_88] : memref<1024x32xf32, #tpu.memory_space<vmem>> -> memref<128x32xf32, #tpu.memory_space<vmem>>
      %dma_start3A_90 = arith.constant 0 : i32
      %dma_start3A_91 = tpu.memref_slice %arg5[%add3A_86, %dma_start3A_90] : memref<48x128xi32, #tpu.memory_space<vmem>> -> memref<1x128xi32, #tpu.memory_space<vmem>>
      %dma_start3A_92 = tpu.memref_squeeze %dma_start3A_91 : memref<1x128xi32, #tpu.memory_space<vmem>> -> memref<128xi32, #tpu.memory_space<vmem>>
      %dma_start3A_93 = arith.constant 0 : i32
      %dma_start3A_94 = arith.constant 0 : i32
      %dma_start3A_95 = tpu.memref_slice %arg3[%dma_start3A_93, %dma_start3A_94] : memref<1015808x32xf32, #tpu.memory_space<hbm>> -> memref<1015808x32xf32, #tpu.memory_space<hbm>>
      tpu.enqueue_indirect_dma source(%dma_start3A_95 : memref<1015808x32xf32, #tpu.memory_space<hbm>>) target(%dma_start3A_89 : memref<128x32xf32, #tpu.memory_space<vmem>>) offsets(%dma_start3A_92 : memref<128xi32, #tpu.memory_space<vmem>>) semaphore(%arg8 : memref<!tpu.dma_semaphore, #tpu.memory_space<semaphore_mem>>)
      %mul3A_96 = arith.constant 8 : i32
      %mul3A_97 = arith.muli %mul3A_29, %mul3A_96 : i32
      %add3A_98 = arith.constant 5 : i32
      %add3A_99 = arith.addi %mul3A_97, %add3A_98 : i32
      %dma_start3A_100 = arith.constant 640 : i32
      %dma_start3A_101 = arith.constant 0 : i32
      %dma_start3A_102 = tpu.memref_slice %arg6[%dma_start3A_100, %dma_start3A_101] : memref<1024x32xf32, #tpu.memory_space<vmem>> -> memref<128x32xf32, #tpu.memory_space<vmem>>
      %dma_start3A_103 = arith.constant 0 : i32
      %dma_start3A_104 = tpu.memref_slice %arg5[%add3A_99, %dma_start3A_103] : memref<48x128xi32, #tpu.memory_space<vmem>> -> memref<1x128xi32, #tpu.memory_space<vmem>>
      %dma_start3A_105 = tpu.memref_squeeze %dma_start3A_104 : memref<1x128xi32, #tpu.memory_space<vmem>> -> memref<128xi32, #tpu.memory_space<vmem>>
      %dma_start3A_106 = arith.constant 0 : i32
      %dma_start3A_107 = arith.constant 0 : i32
      %dma_start3A_108 = tpu.memref_slice %arg3[%dma_start3A_106, %dma_start3A_107] : memref<1015808x32xf32, #tpu.memory_space<hbm>> -> memref<1015808x32xf32, #tpu.memory_space<hbm>>
      tpu.enqueue_indirect_dma source(%dma_start3A_108 : memref<1015808x32xf32, #tpu.memory_space<hbm>>) target(%dma_start3A_102 : memref<128x32xf32, #tpu.memory_space<vmem>>) offsets(%dma_start3A_105 : memref<128xi32, #tpu.memory_space<vmem>>) semaphore(%arg8 : memref<!tpu.dma_semaphore, #tpu.memory_space<semaphore_mem>>)
      %mul3A_109 = arith.constant 8 : i32
      %mul3A_110 = arith.muli %mul3A_29, %mul3A_109 : i32
      %add3A_111 = arith.constant 6 : i32
      %add3A_112 = arith.addi %mul3A_110, %add3A_111 : i32
      %dma_start3A_113 = arith.constant 768 : i32
      %dma_start3A_114 = arith.constant 0 : i32
      %dma_start3A_115 = tpu.memref_slice %arg6[%dma_start3A_113, %dma_start3A_114] : memref<1024x32xf32, #tpu.memory_space<vmem>> -> memref<128x32xf32, #tpu.memory_space<vmem>>
      %dma_start3A_116 = arith.constant 0 : i32
      %dma_start3A_117 = tpu.memref_slice %arg5[%add3A_112, %dma_start3A_116] : memref<48x128xi32, #tpu.memory_space<vmem>> -> memref<1x128xi32, #tpu.memory_space<vmem>>
      %dma_start3A_118 = tpu.memref_squeeze %dma_start3A_117 : memref<1x128xi32, #tpu.memory_space<vmem>> -> memref<128xi32, #tpu.memory_space<vmem>>
      %dma_start3A_119 = arith.constant 0 : i32
      %dma_start3A_120 = arith.constant 0 : i32
      %dma_start3A_121 = tpu.memref_slice %arg3[%dma_start3A_119, %dma_start3A_120] : memref<1015808x32xf32, #tpu.memory_space<hbm>> -> memref<1015808x32xf32, #tpu.memory_space<hbm>>
      tpu.enqueue_indirect_dma source(%dma_start3A_121 : memref<1015808x32xf32, #tpu.memory_space<hbm>>) target(%dma_start3A_115 : memref<128x32xf32, #tpu.memory_space<vmem>>) offsets(%dma_start3A_118 : memref<128xi32, #tpu.memory_space<vmem>>) semaphore(%arg8 : memref<!tpu.dma_semaphore, #tpu.memory_space<semaphore_mem>>)
      %mul3A_122 = arith.constant 8 : i32
      %mul3A_123 = arith.muli %mul3A_29, %mul3A_122 : i32
      %add3A_124 = arith.constant 7 : i32
      %add3A_125 = arith.addi %mul3A_123, %add3A_124 : i32
      %dma_start3A_126 = arith.constant 896 : i32
      %dma_start3A_127 = arith.constant 0 : i32
      %dma_start3A_128 = tpu.memref_slice %arg6[%dma_start3A_126, %dma_start3A_127] : memref<1024x32xf32, #tpu.memory_space<vmem>> -> memref<128x32xf32, #tpu.memory_space<vmem>>
      %dma_start3A_129 = arith.constant 0 : i32
      %dma_start3A_130 = tpu.memref_slice %arg5[%add3A_125, %dma_start3A_129] : memref<48x128xi32, #tpu.memory_space<vmem>> -> memref<1x128xi32, #tpu.memory_space<vmem>>
      %dma_start3A_131 = tpu.memref_squeeze %dma_start3A_130 : memref<1x128xi32, #tpu.memory_space<vmem>> -> memref<128xi32, #tpu.memory_space<vmem>>
      %dma_start3A_132 = arith.constant 0 : i32
      %dma_start3A_133 = arith.constant 0 : i32
      %dma_start3A_134 = tpu.memref_slice %arg3[%dma_start3A_132, %dma_start3A_133] : memref<1015808x32xf32, #tpu.memory_space<hbm>> -> memref<1015808x32xf32, #tpu.memory_space<hbm>>
      tpu.enqueue_indirect_dma source(%dma_start3A_134 : memref<1015808x32xf32, #tpu.memory_space<hbm>>) target(%dma_start3A_128 : memref<128x32xf32, #tpu.memory_space<vmem>>) offsets(%dma_start3A_131 : memref<128xi32, #tpu.memory_space<vmem>>) semaphore(%arg8 : memref<!tpu.dma_semaphore, #tpu.memory_space<semaphore_mem>>)
      %dma_wait3A_135 = arith.constant 0 : i32
      %dma_wait3A_136 = arith.constant 0 : i32
      %dma_wait3A_137 = tpu.memref_slice %arg6[%dma_wait3A_135, %dma_wait3A_136] : memref<1024x32xf32, #tpu.memory_space<vmem>> -> memref<128x32xf32, #tpu.memory_space<vmem>>
      %dma_wait3A_138 = arith.constant 0 : i32
      %dma_wait3A_139 = tpu.memref_slice %arg5[%add3A_35, %dma_wait3A_138] : memref<48x128xi32, #tpu.memory_space<vmem>> -> memref<1x128xi32, #tpu.memory_space<vmem>>
      %dma_wait3A_140 = tpu.memref_squeeze %dma_wait3A_139 : memref<1x128xi32, #tpu.memory_space<vmem>> -> memref<128xi32, #tpu.memory_space<vmem>>
      %dma_wait3A_141 = arith.constant 0 : i32
      %dma_wait3A_142 = arith.constant 0 : i32
      %dma_wait3A_143 = tpu.memref_slice %arg3[%dma_wait3A_141, %dma_wait3A_142] : memref<1015808x32xf32, #tpu.memory_space<hbm>> -> memref<1015808x32xf32, #tpu.memory_space<hbm>>
      tpu.wait_indirect_dma semaphore(%arg8 : memref<!tpu.dma_semaphore, #tpu.memory_space<semaphore_mem>>) src(%dma_wait3A_143 : memref<1015808x32xf32, #tpu.memory_space<hbm>>) dst(%dma_wait3A_137 : memref<128x32xf32, #tpu.memory_space<vmem>>)
      %dma_wait3A_144 = arith.constant 128 : i32
      %dma_wait3A_145 = arith.constant 0 : i32
      %dma_wait3A_146 = tpu.memref_slice %arg6[%dma_wait3A_144, %dma_wait3A_145] : memref<1024x32xf32, #tpu.memory_space<vmem>> -> memref<128x32xf32, #tpu.memory_space<vmem>>
      %dma_wait3A_147 = arith.constant 0 : i32
      %dma_wait3A_148 = tpu.memref_slice %arg5[%add3A_47, %dma_wait3A_147] : memref<48x128xi32, #tpu.memory_space<vmem>> -> memref<1x128xi32, #tpu.memory_space<vmem>>
      %dma_wait3A_149 = tpu.memref_squeeze %dma_wait3A_148 : memref<1x128xi32, #tpu.memory_space<vmem>> -> memref<128xi32, #tpu.memory_space<vmem>>
      %dma_wait3A_150 = arith.constant 0 : i32
      %dma_wait3A_151 = arith.constant 0 : i32
      %dma_wait3A_152 = tpu.memref_slice %arg3[%dma_wait3A_150, %dma_wait3A_151] : memref<1015808x32xf32, #tpu.memory_space<hbm>> -> memref<1015808x32xf32, #tpu.memory_space<hbm>>
      tpu.wait_indirect_dma semaphore(%arg8 : memref<!tpu.dma_semaphore, #tpu.memory_space<semaphore_mem>>) src(%dma_wait3A_152 : memref<1015808x32xf32, #tpu.memory_space<hbm>>) dst(%dma_wait3A_146 : memref<128x32xf32, #tpu.memory_space<vmem>>)
      %dma_wait3A_153 = arith.constant 256 : i32
      %dma_wait3A_154 = arith.constant 0 : i32
      %dma_wait3A_155 = tpu.memref_slice %arg6[%dma_wait3A_153, %dma_wait3A_154] : memref<1024x32xf32, #tpu.memory_space<vmem>> -> memref<128x32xf32, #tpu.memory_space<vmem>>
      %dma_wait3A_156 = arith.constant 0 : i32
      %dma_wait3A_157 = tpu.memref_slice %arg5[%add3A_60, %dma_wait3A_156] : memref<48x128xi32, #tpu.memory_space<vmem>> -> memref<1x128xi32, #tpu.memory_space<vmem>>
      %dma_wait3A_158 = tpu.memref_squeeze %dma_wait3A_157 : memref<1x128xi32, #tpu.memory_space<vmem>> -> memref<128xi32, #tpu.memory_space<vmem>>
      %dma_wait3A_159 = arith.constant 0 : i32
      %dma_wait3A_160 = arith.constant 0 : i32
      %dma_wait3A_161 = tpu.memref_slice %arg3[%dma_wait3A_159, %dma_wait3A_160] : memref<1015808x32xf32, #tpu.memory_space<hbm>> -> memref<1015808x32xf32, #tpu.memory_space<hbm>>
      tpu.wait_indirect_dma semaphore(%arg8 : memref<!tpu.dma_semaphore, #tpu.memory_space<semaphore_mem>>) src(%dma_wait3A_161 : memref<1015808x32xf32, #tpu.memory_space<hbm>>) dst(%dma_wait3A_155 : memref<128x32xf32, #tpu.memory_space<vmem>>)
      %dma_wait3A_162 = arith.constant 384 : i32
      %dma_wait3A_163 = arith.constant 0 : i32
      %dma_wait3A_164 = tpu.memref_slice %arg6[%dma_wait3A_162, %dma_wait3A_163] : memref<1024x32xf32, #tpu.memory_space<vmem>> -> memref<128x32xf32, #tpu.memory_space<vmem>>
      %dma_wait3A_165 = arith.constant 0 : i32
      %dma_wait3A_166 = tpu.memref_slice %arg5[%add3A_73, %dma_wait3A_165] : memref<48x128xi32, #tpu.memory_space<vmem>> -> memref<1x128xi32, #tpu.memory_space<vmem>>
      %dma_wait3A_167 = tpu.memref_squeeze %dma_wait3A_166 : memref<1x128xi32, #tpu.memory_space<vmem>> -> memref<128xi32, #tpu.memory_space<vmem>>
      %dma_wait3A_168 = arith.constant 0 : i32
      %dma_wait3A_169 = arith.constant 0 : i32
      %dma_wait3A_170 = tpu.memref_slice %arg3[%dma_wait3A_168, %dma_wait3A_169] : memref<1015808x32xf32, #tpu.memory_space<hbm>> -> memref<1015808x32xf32, #tpu.memory_space<hbm>>
      tpu.wait_indirect_dma semaphore(%arg8 : memref<!tpu.dma_semaphore, #tpu.memory_space<semaphore_mem>>) src(%dma_wait3A_170 : memref<1015808x32xf32, #tpu.memory_space<hbm>>) dst(%dma_wait3A_164 : memref<128x32xf32, #tpu.memory_space<vmem>>)
      %dma_wait3A_171 = arith.constant 512 : i32
      %dma_wait3A_172 = arith.constant 0 : i32
      %dma_wait3A_173 = tpu.memref_slice %arg6[%dma_wait3A_171, %dma_wait3A_172] : memref<1024x32xf32, #tpu.memory_space<vmem>> -> memref<128x32xf32, #tpu.memory_space<vmem>>
      %dma_wait3A_174 = arith.constant 0 : i32
      %dma_wait3A_175 = tpu.memref_slice %arg5[%add3A_86, %dma_wait3A_174] : memref<48x128xi32, #tpu.memory_space<vmem>> -> memref<1x128xi32, #tpu.memory_space<vmem>>
      %dma_wait3A_176 = tpu.memref_squeeze %dma_wait3A_175 : memref<1x128xi32, #tpu.memory_space<vmem>> -> memref<128xi32, #tpu.memory_space<vmem>>
      %dma_wait3A_177 = arith.constant 0 : i32
      %dma_wait3A_178 = arith.constant 0 : i32
      %dma_wait3A_179 = tpu.memref_slice %arg3[%dma_wait3A_177, %dma_wait3A_178] : memref<1015808x32xf32, #tpu.memory_space<hbm>> -> memref<1015808x32xf32, #tpu.memory_space<hbm>>
      tpu.wait_indirect_dma semaphore(%arg8 : memref<!tpu.dma_semaphore, #tpu.memory_space<semaphore_mem>>) src(%dma_wait3A_179 : memref<1015808x32xf32, #tpu.memory_space<hbm>>) dst(%dma_wait3A_173 : memref<128x32xf32, #tpu.memory_space<vmem>>)
      %dma_wait3A_180 = arith.constant 640 : i32
      %dma_wait3A_181 = arith.constant 0 : i32
      %dma_wait3A_182 = tpu.memref_slice %arg6[%dma_wait3A_180, %dma_wait3A_181] : memref<1024x32xf32, #tpu.memory_space<vmem>> -> memref<128x32xf32, #tpu.memory_space<vmem>>
      %dma_wait3A_183 = arith.constant 0 : i32
      %dma_wait3A_184 = tpu.memref_slice %arg5[%add3A_99, %dma_wait3A_183] : memref<48x128xi32, #tpu.memory_space<vmem>> -> memref<1x128xi32, #tpu.memory_space<vmem>>
      %dma_wait3A_185 = tpu.memref_squeeze %dma_wait3A_184 : memref<1x128xi32, #tpu.memory_space<vmem>> -> memref<128xi32, #tpu.memory_space<vmem>>
      %dma_wait3A_186 = arith.constant 0 : i32
      %dma_wait3A_187 = arith.constant 0 : i32
      %dma_wait3A_188 = tpu.memref_slice %arg3[%dma_wait3A_186, %dma_wait3A_187] : memref<1015808x32xf32, #tpu.memory_space<hbm>> -> memref<1015808x32xf32, #tpu.memory_space<hbm>>
      tpu.wait_indirect_dma semaphore(%arg8 : memref<!tpu.dma_semaphore, #tpu.memory_space<semaphore_mem>>) src(%dma_wait3A_188 : memref<1015808x32xf32, #tpu.memory_space<hbm>>) dst(%dma_wait3A_182 : memref<128x32xf32, #tpu.memory_space<vmem>>)
      %dma_wait3A_189 = arith.constant 768 : i32
      %dma_wait3A_190 = arith.constant 0 : i32
      %dma_wait3A_191 = tpu.memref_slice %arg6[%dma_wait3A_189, %dma_wait3A_190] : memref<1024x32xf32, #tpu.memory_space<vmem>> -> memref<128x32xf32, #tpu.memory_space<vmem>>
      %dma_wait3A_192 = arith.constant 0 : i32
      %dma_wait3A_193 = tpu.memref_slice %arg5[%add3A_112, %dma_wait3A_192] : memref<48x128xi32, #tpu.memory_space<vmem>> -> memref<1x128xi32, #tpu.memory_space<vmem>>
      %dma_wait3A_194 = tpu.memref_squeeze %dma_wait3A_193 : memref<1x128xi32, #tpu.memory_space<vmem>> -> memref<128xi32, #tpu.memory_space<vmem>>
      %dma_wait3A_195 = arith.constant 0 : i32
      %dma_wait3A_196 = arith.constant 0 : i32
      %dma_wait3A_197 = tpu.memref_slice %arg3[%dma_wait3A_195, %dma_wait3A_196] : memref<1015808x32xf32, #tpu.memory_space<hbm>> -> memref<1015808x32xf32, #tpu.memory_space<hbm>>
      tpu.wait_indirect_dma semaphore(%arg8 : memref<!tpu.dma_semaphore, #tpu.memory_space<semaphore_mem>>) src(%dma_wait3A_197 : memref<1015808x32xf32, #tpu.memory_space<hbm>>) dst(%dma_wait3A_191 : memref<128x32xf32, #tpu.memory_space<vmem>>)
      %dma_wait3A_198 = arith.constant 896 : i32
      %dma_wait3A_199 = arith.constant 0 : i32
      %dma_wait3A_200 = tpu.memref_slice %arg6[%dma_wait3A_198, %dma_wait3A_199] : memref<1024x32xf32, #tpu.memory_space<vmem>> -> memref<128x32xf32, #tpu.memory_space<vmem>>
      %dma_wait3A_201 = arith.constant 0 : i32
      %dma_wait3A_202 = tpu.memref_slice %arg5[%add3A_125, %dma_wait3A_201] : memref<48x128xi32, #tpu.memory_space<vmem>> -> memref<1x128xi32, #tpu.memory_space<vmem>>
      %dma_wait3A_203 = tpu.memref_squeeze %dma_wait3A_202 : memref<1x128xi32, #tpu.memory_space<vmem>> -> memref<128xi32, #tpu.memory_space<vmem>>
      %dma_wait3A_204 = arith.constant 0 : i32
      %dma_wait3A_205 = arith.constant 0 : i32
      %dma_wait3A_206 = tpu.memref_slice %arg3[%dma_wait3A_204, %dma_wait3A_205] : memref<1015808x32xf32, #tpu.memory_space<hbm>> -> memref<1015808x32xf32, #tpu.memory_space<hbm>>
      tpu.wait_indirect_dma semaphore(%arg8 : memref<!tpu.dma_semaphore, #tpu.memory_space<semaphore_mem>>) src(%dma_wait3A_206 : memref<1015808x32xf32, #tpu.memory_space<hbm>>) dst(%dma_wait3A_200 : memref<128x32xf32, #tpu.memory_space<vmem>>)
      %mul3A_207 = arith.constant 48 : i32
      %mul3A_208 = arith.muli %add3A, %mul3A_207 : i32
      %mul3A_209 = arith.constant 8 : i32
      %mul3A_210 = arith.muli %mul3A_29, %mul3A_209 : i32
      %add3A_211 = arith.addi %mul3A_208, %mul3A_210 : i32
      %mul3A_212 = arith.constant 128 : i32
      %mul3A_213 = arith.muli %add3A_211, %mul3A_212 : i32
      %dma_start3A_214 = arith.constant 0 : i32
      %dma_start3A_215 = tpu.memref_slice %arg4[%mul3A_213, %dma_start3A_214] : memref<196608x32xf32, #tpu.memory_space<hbm>> -> memref<1024x32xf32, #tpu.memory_space<hbm>>
      %dma_start3A_216 = arith.constant 0 : i32
      %dma_start3A_217 = tpu.memref_slice %arg4[%mul3A_213, %dma_start3A_216] : memref<196608x32xf32, #tpu.memory_space<hbm>> -> memref<1024x32xf32, #tpu.memory_space<hbm>>
      tpu.enqueue_dma source(%arg6 : memref<1024x32xf32, #tpu.memory_space<vmem>>) target(%dma_start3A_217 : memref<1024x32xf32, #tpu.memory_space<hbm>>) target_semaphore(%arg9 : memref<!tpu.dma_semaphore, #tpu.memory_space<semaphore_mem>>)
      %mul3A_218 = arith.constant 2 : i32
      %mul3A_219 = arith.muli %mul3A_218, %scan3A_27 : i32
      %add3A_220 = arith.constant 1 : i32
      %add3A_221 = arith.addi %mul3A_219, %add3A_220 : i32
      %ge3A_222 = arith.constant 1 : i32
      %ge3A_223 = arith.cmpi sge, %scan3A_27, %ge3A_222 : i32
      %convert_element_type3A_224 = arith.extui %ge3A_223 : i1 to i32
      %cond3A_225 = arith.constant 0 : i32
      %cond3A_226 = arith.cmpi ne, %convert_element_type3A_224, %cond3A_225 : i32
      scf.if %cond3A_226 {
        %mul3A_414 = arith.constant 48 : i32
        %mul3A_415 = arith.muli %add3A, %mul3A_414 : i32
        %mul3A_416 = arith.constant 8 : i32
        %mul3A_417 = arith.muli %add3A_221, %mul3A_416 : i32
        %add3A_418 = arith.addi %mul3A_415, %mul3A_417 : i32
        %mul3A_419 = arith.constant 128 : i32
        %mul3A_420 = arith.muli %add3A_418, %mul3A_419 : i32
        %dma_wait3A_421 = arith.constant 0 : i32
        %dma_wait3A_422 = tpu.memref_slice %arg4[%mul3A_420, %dma_wait3A_421] : memref<196608x32xf32, #tpu.memory_space<hbm>> -> memref<1024x32xf32, #tpu.memory_space<hbm>>
        %dma_wait3A_423 = arith.constant 0 : i32
        %dma_wait3A_424 = tpu.memref_slice %arg4[%mul3A_420, %dma_wait3A_423] : memref<196608x32xf32, #tpu.memory_space<hbm>> -> memref<1024x32xf32, #tpu.memory_space<hbm>>
        tpu.wait_dma2 semaphore(%arg10 : memref<!tpu.dma_semaphore, #tpu.memory_space<semaphore_mem>>) src(%arg7 : memref<1024x32xf32, #tpu.memory_space<vmem>>) dst(%dma_wait3A_424 : memref<1024x32xf32, #tpu.memory_space<hbm>>)
      } else {
      }
      %mul3A_227 = arith.constant 8 : i32
      %mul3A_228 = arith.muli %add3A_221, %mul3A_227 : i32
      %add3A_229 = arith.constant 0 : i32
      %add3A_230 = arith.addi %mul3A_228, %add3A_229 : i32
      %dma_start3A_231 = arith.constant 0 : i32
      %dma_start3A_232 = arith.constant 0 : i32
      %dma_start3A_233 = tpu.memref_slice %arg7[%dma_start3A_231, %dma_start3A_232] : memref<1024x32xf32, #tpu.memory_space<vmem>> -> memref<128x32xf32, #tpu.memory_space<vmem>>
      %dma_start3A_234 = arith.constant 0 : i32
      %dma_start3A_235 = tpu.memref_slice %arg5[%add3A_230, %dma_start3A_234] : memref<48x128xi32, #tpu.memory_space<vmem>> -> memref<1x128xi32, #tpu.memory_space<vmem>>
      %dma_start3A_236 = tpu.memref_squeeze %dma_start3A_235 : memref<1x128xi32, #tpu.memory_space<vmem>> -> memref<128xi32, #tpu.memory_space<vmem>>
      %dma_start3A_237 = arith.constant 0 : i32
      %dma_start3A_238 = arith.constant 0 : i32
      %dma_start3A_239 = tpu.memref_slice %arg3[%dma_start3A_237, %dma_start3A_238] : memref<1015808x32xf32, #tpu.memory_space<hbm>> -> memref<1015808x32xf32, #tpu.memory_space<hbm>>
      tpu.enqueue_indirect_dma source(%dma_start3A_239 : memref<1015808x32xf32, #tpu.memory_space<hbm>>) target(%dma_start3A_233 : memref<128x32xf32, #tpu.memory_space<vmem>>) offsets(%dma_start3A_236 : memref<128xi32, #tpu.memory_space<vmem>>) semaphore(%arg8 : memref<!tpu.dma_semaphore, #tpu.memory_space<semaphore_mem>>)
      %mul3A_240 = arith.constant 8 : i32
      %mul3A_241 = arith.muli %add3A_221, %mul3A_240 : i32
      %add3A_242 = arith.constant 1 : i32
      %add3A_243 = arith.addi %mul3A_241, %add3A_242 : i32
      %dma_start3A_244 = arith.constant 128 : i32
      %dma_start3A_245 = arith.constant 0 : i32
      %dma_start3A_246 = tpu.memref_slice %arg7[%dma_start3A_244, %dma_start3A_245] : memref<1024x32xf32, #tpu.memory_space<vmem>> -> memref<128x32xf32, #tpu.memory_space<vmem>>
      %dma_start3A_247 = arith.constant 0 : i32
      %dma_start3A_248 = tpu.memref_slice %arg5[%add3A_243, %dma_start3A_247] : memref<48x128xi32, #tpu.memory_space<vmem>> -> memref<1x128xi32, #tpu.memory_space<vmem>>
      %dma_start3A_249 = tpu.memref_squeeze %dma_start3A_248 : memref<1x128xi32, #tpu.memory_space<vmem>> -> memref<128xi32, #tpu.memory_space<vmem>>
      %dma_start3A_250 = arith.constant 0 : i32
      %dma_start3A_251 = arith.constant 0 : i32
      %dma_start3A_252 = tpu.memref_slice %arg3[%dma_start3A_250, %dma_start3A_251] : memref<1015808x32xf32, #tpu.memory_space<hbm>> -> memref<1015808x32xf32, #tpu.memory_space<hbm>>
      tpu.enqueue_indirect_dma source(%dma_start3A_252 : memref<1015808x32xf32, #tpu.memory_space<hbm>>) target(%dma_start3A_246 : memref<128x32xf32, #tpu.memory_space<vmem>>) offsets(%dma_start3A_249 : memref<128xi32, #tpu.memory_space<vmem>>) semaphore(%arg8 : memref<!tpu.dma_semaphore, #tpu.memory_space<semaphore_mem>>)
      %mul3A_253 = arith.constant 8 : i32
      %mul3A_254 = arith.muli %add3A_221, %mul3A_253 : i32
      %add3A_255 = arith.constant 2 : i32
      %add3A_256 = arith.addi %mul3A_254, %add3A_255 : i32
      %dma_start3A_257 = arith.constant 256 : i32
      %dma_start3A_258 = arith.constant 0 : i32
      %dma_start3A_259 = tpu.memref_slice %arg7[%dma_start3A_257, %dma_start3A_258] : memref<1024x32xf32, #tpu.memory_space<vmem>> -> memref<128x32xf32, #tpu.memory_space<vmem>>
      %dma_start3A_260 = arith.constant 0 : i32
      %dma_start3A_261 = tpu.memref_slice %arg5[%add3A_256, %dma_start3A_260] : memref<48x128xi32, #tpu.memory_space<vmem>> -> memref<1x128xi32, #tpu.memory_space<vmem>>
      %dma_start3A_262 = tpu.memref_squeeze %dma_start3A_261 : memref<1x128xi32, #tpu.memory_space<vmem>> -> memref<128xi32, #tpu.memory_space<vmem>>
      %dma_start3A_263 = arith.constant 0 : i32
      %dma_start3A_264 = arith.constant 0 : i32
      %dma_start3A_265 = tpu.memref_slice %arg3[%dma_start3A_263, %dma_start3A_264] : memref<1015808x32xf32, #tpu.memory_space<hbm>> -> memref<1015808x32xf32, #tpu.memory_space<hbm>>
      tpu.enqueue_indirect_dma source(%dma_start3A_265 : memref<1015808x32xf32, #tpu.memory_space<hbm>>) target(%dma_start3A_259 : memref<128x32xf32, #tpu.memory_space<vmem>>) offsets(%dma_start3A_262 : memref<128xi32, #tpu.memory_space<vmem>>) semaphore(%arg8 : memref<!tpu.dma_semaphore, #tpu.memory_space<semaphore_mem>>)
      %mul3A_266 = arith.constant 8 : i32
      %mul3A_267 = arith.muli %add3A_221, %mul3A_266 : i32
      %add3A_268 = arith.constant 3 : i32
      %add3A_269 = arith.addi %mul3A_267, %add3A_268 : i32
      %dma_start3A_270 = arith.constant 384 : i32
      %dma_start3A_271 = arith.constant 0 : i32
      %dma_start3A_272 = tpu.memref_slice %arg7[%dma_start3A_270, %dma_start3A_271] : memref<1024x32xf32, #tpu.memory_space<vmem>> -> memref<128x32xf32, #tpu.memory_space<vmem>>
      %dma_start3A_273 = arith.constant 0 : i32
      %dma_start3A_274 = tpu.memref_slice %arg5[%add3A_269, %dma_start3A_273] : memref<48x128xi32, #tpu.memory_space<vmem>> -> memref<1x128xi32, #tpu.memory_space<vmem>>
      %dma_start3A_275 = tpu.memref_squeeze %dma_start3A_274 : memref<1x128xi32, #tpu.memory_space<vmem>> -> memref<128xi32, #tpu.memory_space<vmem>>
      %dma_start3A_276 = arith.constant 0 : i32
      %dma_start3A_277 = arith.constant 0 : i32
      %dma_start3A_278 = tpu.memref_slice %arg3[%dma_start3A_276, %dma_start3A_277] : memref<1015808x32xf32, #tpu.memory_space<hbm>> -> memref<1015808x32xf32, #tpu.memory_space<hbm>>
      tpu.enqueue_indirect_dma source(%dma_start3A_278 : memref<1015808x32xf32, #tpu.memory_space<hbm>>) target(%dma_start3A_272 : memref<128x32xf32, #tpu.memory_space<vmem>>) offsets(%dma_start3A_275 : memref<128xi32, #tpu.memory_space<vmem>>) semaphore(%arg8 : memref<!tpu.dma_semaphore, #tpu.memory_space<semaphore_mem>>)
      %mul3A_279 = arith.constant 8 : i32
      %mul3A_280 = arith.muli %add3A_221, %mul3A_279 : i32
      %add3A_281 = arith.constant 4 : i32
      %add3A_282 = arith.addi %mul3A_280, %add3A_281 : i32
      %dma_start3A_283 = arith.constant 512 : i32
      %dma_start3A_284 = arith.constant 0 : i32
      %dma_start3A_285 = tpu.memref_slice %arg7[%dma_start3A_283, %dma_start3A_284] : memref<1024x32xf32, #tpu.memory_space<vmem>> -> memref<128x32xf32, #tpu.memory_space<vmem>>
      %dma_start3A_286 = arith.constant 0 : i32
      %dma_start3A_287 = tpu.memref_slice %arg5[%add3A_282, %dma_start3A_286] : memref<48x128xi32, #tpu.memory_space<vmem>> -> memref<1x128xi32, #tpu.memory_space<vmem>>
      %dma_start3A_288 = tpu.memref_squeeze %dma_start3A_287 : memref<1x128xi32, #tpu.memory_space<vmem>> -> memref<128xi32, #tpu.memory_space<vmem>>
      %dma_start3A_289 = arith.constant 0 : i32
      %dma_start3A_290 = arith.constant 0 : i32
      %dma_start3A_291 = tpu.memref_slice %arg3[%dma_start3A_289, %dma_start3A_290] : memref<1015808x32xf32, #tpu.memory_space<hbm>> -> memref<1015808x32xf32, #tpu.memory_space<hbm>>
      tpu.enqueue_indirect_dma source(%dma_start3A_291 : memref<1015808x32xf32, #tpu.memory_space<hbm>>) target(%dma_start3A_285 : memref<128x32xf32, #tpu.memory_space<vmem>>) offsets(%dma_start3A_288 : memref<128xi32, #tpu.memory_space<vmem>>) semaphore(%arg8 : memref<!tpu.dma_semaphore, #tpu.memory_space<semaphore_mem>>)
      %mul3A_292 = arith.constant 8 : i32
      %mul3A_293 = arith.muli %add3A_221, %mul3A_292 : i32
      %add3A_294 = arith.constant 5 : i32
      %add3A_295 = arith.addi %mul3A_293, %add3A_294 : i32
      %dma_start3A_296 = arith.constant 640 : i32
      %dma_start3A_297 = arith.constant 0 : i32
      %dma_start3A_298 = tpu.memref_slice %arg7[%dma_start3A_296, %dma_start3A_297] : memref<1024x32xf32, #tpu.memory_space<vmem>> -> memref<128x32xf32, #tpu.memory_space<vmem>>
      %dma_start3A_299 = arith.constant 0 : i32
      %dma_start3A_300 = tpu.memref_slice %arg5[%add3A_295, %dma_start3A_299] : memref<48x128xi32, #tpu.memory_space<vmem>> -> memref<1x128xi32, #tpu.memory_space<vmem>>
      %dma_start3A_301 = tpu.memref_squeeze %dma_start3A_300 : memref<1x128xi32, #tpu.memory_space<vmem>> -> memref<128xi32, #tpu.memory_space<vmem>>
      %dma_start3A_302 = arith.constant 0 : i32
      %dma_start3A_303 = arith.constant 0 : i32
      %dma_start3A_304 = tpu.memref_slice %arg3[%dma_start3A_302, %dma_start3A_303] : memref<1015808x32xf32, #tpu.memory_space<hbm>> -> memref<1015808x32xf32, #tpu.memory_space<hbm>>
      tpu.enqueue_indirect_dma source(%dma_start3A_304 : memref<1015808x32xf32, #tpu.memory_space<hbm>>) target(%dma_start3A_298 : memref<128x32xf32, #tpu.memory_space<vmem>>) offsets(%dma_start3A_301 : memref<128xi32, #tpu.memory_space<vmem>>) semaphore(%arg8 : memref<!tpu.dma_semaphore, #tpu.memory_space<semaphore_mem>>)
      %mul3A_305 = arith.constant 8 : i32
      %mul3A_306 = arith.muli %add3A_221, %mul3A_305 : i32
      %add3A_307 = arith.constant 6 : i32
      %add3A_308 = arith.addi %mul3A_306, %add3A_307 : i32
      %dma_start3A_309 = arith.constant 768 : i32
      %dma_start3A_310 = arith.constant 0 : i32
      %dma_start3A_311 = tpu.memref_slice %arg7[%dma_start3A_309, %dma_start3A_310] : memref<1024x32xf32, #tpu.memory_space<vmem>> -> memref<128x32xf32, #tpu.memory_space<vmem>>
      %dma_start3A_312 = arith.constant 0 : i32
      %dma_start3A_313 = tpu.memref_slice %arg5[%add3A_308, %dma_start3A_312] : memref<48x128xi32, #tpu.memory_space<vmem>> -> memref<1x128xi32, #tpu.memory_space<vmem>>
      %dma_start3A_314 = tpu.memref_squeeze %dma_start3A_313 : memref<1x128xi32, #tpu.memory_space<vmem>> -> memref<128xi32, #tpu.memory_space<vmem>>
      %dma_start3A_315 = arith.constant 0 : i32
      %dma_start3A_316 = arith.constant 0 : i32
      %dma_start3A_317 = tpu.memref_slice %arg3[%dma_start3A_315, %dma_start3A_316] : memref<1015808x32xf32, #tpu.memory_space<hbm>> -> memref<1015808x32xf32, #tpu.memory_space<hbm>>
      tpu.enqueue_indirect_dma source(%dma_start3A_317 : memref<1015808x32xf32, #tpu.memory_space<hbm>>) target(%dma_start3A_311 : memref<128x32xf32, #tpu.memory_space<vmem>>) offsets(%dma_start3A_314 : memref<128xi32, #tpu.memory_space<vmem>>) semaphore(%arg8 : memref<!tpu.dma_semaphore, #tpu.memory_space<semaphore_mem>>)
      %mul3A_318 = arith.constant 8 : i32
      %mul3A_319 = arith.muli %add3A_221, %mul3A_318 : i32
      %add3A_320 = arith.constant 7 : i32
      %add3A_321 = arith.addi %mul3A_319, %add3A_320 : i32
      %dma_start3A_322 = arith.constant 896 : i32
      %dma_start3A_323 = arith.constant 0 : i32
      %dma_start3A_324 = tpu.memref_slice %arg7[%dma_start3A_322, %dma_start3A_323] : memref<1024x32xf32, #tpu.memory_space<vmem>> -> memref<128x32xf32, #tpu.memory_space<vmem>>
      %dma_start3A_325 = arith.constant 0 : i32
      %dma_start3A_326 = tpu.memref_slice %arg5[%add3A_321, %dma_start3A_325] : memref<48x128xi32, #tpu.memory_space<vmem>> -> memref<1x128xi32, #tpu.memory_space<vmem>>
      %dma_start3A_327 = tpu.memref_squeeze %dma_start3A_326 : memref<1x128xi32, #tpu.memory_space<vmem>> -> memref<128xi32, #tpu.memory_space<vmem>>
      %dma_start3A_328 = arith.constant 0 : i32
      %dma_start3A_329 = arith.constant 0 : i32
      %dma_start3A_330 = tpu.memref_slice %arg3[%dma_start3A_328, %dma_start3A_329] : memref<1015808x32xf32, #tpu.memory_space<hbm>> -> memref<1015808x32xf32, #tpu.memory_space<hbm>>
      tpu.enqueue_indirect_dma source(%dma_start3A_330 : memref<1015808x32xf32, #tpu.memory_space<hbm>>) target(%dma_start3A_324 : memref<128x32xf32, #tpu.memory_space<vmem>>) offsets(%dma_start3A_327 : memref<128xi32, #tpu.memory_space<vmem>>) semaphore(%arg8 : memref<!tpu.dma_semaphore, #tpu.memory_space<semaphore_mem>>)
      %dma_wait3A_331 = arith.constant 0 : i32
      %dma_wait3A_332 = arith.constant 0 : i32
      %dma_wait3A_333 = tpu.memref_slice %arg7[%dma_wait3A_331, %dma_wait3A_332] : memref<1024x32xf32, #tpu.memory_space<vmem>> -> memref<128x32xf32, #tpu.memory_space<vmem>>
      %dma_wait3A_334 = arith.constant 0 : i32
      %dma_wait3A_335 = tpu.memref_slice %arg5[%add3A_230, %dma_wait3A_334] : memref<48x128xi32, #tpu.memory_space<vmem>> -> memref<1x128xi32, #tpu.memory_space<vmem>>
      %dma_wait3A_336 = tpu.memref_squeeze %dma_wait3A_335 : memref<1x128xi32, #tpu.memory_space<vmem>> -> memref<128xi32, #tpu.memory_space<vmem>>
      %dma_wait3A_337 = arith.constant 0 : i32
      %dma_wait3A_338 = arith.constant 0 : i32
      %dma_wait3A_339 = tpu.memref_slice %arg3[%dma_wait3A_337, %dma_wait3A_338] : memref<1015808x32xf32, #tpu.memory_space<hbm>> -> memref<1015808x32xf32, #tpu.memory_space<hbm>>
      tpu.wait_indirect_dma semaphore(%arg8 : memref<!tpu.dma_semaphore, #tpu.memory_space<semaphore_mem>>) src(%dma_wait3A_339 : memref<1015808x32xf32, #tpu.memory_space<hbm>>) dst(%dma_wait3A_333 : memref<128x32xf32, #tpu.memory_space<vmem>>)
      %dma_wait3A_340 = arith.constant 128 : i32
      %dma_wait3A_341 = arith.constant 0 : i32
      %dma_wait3A_342 = tpu.memref_slice %arg7[%dma_wait3A_340, %dma_wait3A_341] : memref<1024x32xf32, #tpu.memory_space<vmem>> -> memref<128x32xf32, #tpu.memory_space<vmem>>
      %dma_wait3A_343 = arith.constant 0 : i32
      %dma_wait3A_344 = tpu.memref_slice %arg5[%add3A_243, %dma_wait3A_343] : memref<48x128xi32, #tpu.memory_space<vmem>> -> memref<1x128xi32, #tpu.memory_space<vmem>>
      %dma_wait3A_345 = tpu.memref_squeeze %dma_wait3A_344 : memref<1x128xi32, #tpu.memory_space<vmem>> -> memref<128xi32, #tpu.memory_space<vmem>>
      %dma_wait3A_346 = arith.constant 0 : i32
      %dma_wait3A_347 = arith.constant 0 : i32
      %dma_wait3A_348 = tpu.memref_slice %arg3[%dma_wait3A_346, %dma_wait3A_347] : memref<1015808x32xf32, #tpu.memory_space<hbm>> -> memref<1015808x32xf32, #tpu.memory_space<hbm>>
      tpu.wait_indirect_dma semaphore(%arg8 : memref<!tpu.dma_semaphore, #tpu.memory_space<semaphore_mem>>) src(%dma_wait3A_348 : memref<1015808x32xf32, #tpu.memory_space<hbm>>) dst(%dma_wait3A_342 : memref<128x32xf32, #tpu.memory_space<vmem>>)
      %dma_wait3A_349 = arith.constant 256 : i32
      %dma_wait3A_350 = arith.constant 0 : i32
      %dma_wait3A_351 = tpu.memref_slice %arg7[%dma_wait3A_349, %dma_wait3A_350] : memref<1024x32xf32, #tpu.memory_space<vmem>> -> memref<128x32xf32, #tpu.memory_space<vmem>>
      %dma_wait3A_352 = arith.constant 0 : i32
      %dma_wait3A_353 = tpu.memref_slice %arg5[%add3A_256, %dma_wait3A_352] : memref<48x128xi32, #tpu.memory_space<vmem>> -> memref<1x128xi32, #tpu.memory_space<vmem>>
      %dma_wait3A_354 = tpu.memref_squeeze %dma_wait3A_353 : memref<1x128xi32, #tpu.memory_space<vmem>> -> memref<128xi32, #tpu.memory_space<vmem>>
      %dma_wait3A_355 = arith.constant 0 : i32
      %dma_wait3A_356 = arith.constant 0 : i32
      %dma_wait3A_357 = tpu.memref_slice %arg3[%dma_wait3A_355, %dma_wait3A_356] : memref<1015808x32xf32, #tpu.memory_space<hbm>> -> memref<1015808x32xf32, #tpu.memory_space<hbm>>
      tpu.wait_indirect_dma semaphore(%arg8 : memref<!tpu.dma_semaphore, #tpu.memory_space<semaphore_mem>>) src(%dma_wait3A_357 : memref<1015808x32xf32, #tpu.memory_space<hbm>>) dst(%dma_wait3A_351 : memref<128x32xf32, #tpu.memory_space<vmem>>)
      %dma_wait3A_358 = arith.constant 384 : i32
      %dma_wait3A_359 = arith.constant 0 : i32
      %dma_wait3A_360 = tpu.memref_slice %arg7[%dma_wait3A_358, %dma_wait3A_359] : memref<1024x32xf32, #tpu.memory_space<vmem>> -> memref<128x32xf32, #tpu.memory_space<vmem>>
      %dma_wait3A_361 = arith.constant 0 : i32
      %dma_wait3A_362 = tpu.memref_slice %arg5[%add3A_269, %dma_wait3A_361] : memref<48x128xi32, #tpu.memory_space<vmem>> -> memref<1x128xi32, #tpu.memory_space<vmem>>
      %dma_wait3A_363 = tpu.memref_squeeze %dma_wait3A_362 : memref<1x128xi32, #tpu.memory_space<vmem>> -> memref<128xi32, #tpu.memory_space<vmem>>
      %dma_wait3A_364 = arith.constant 0 : i32
      %dma_wait3A_365 = arith.constant 0 : i32
      %dma_wait3A_366 = tpu.memref_slice %arg3[%dma_wait3A_364, %dma_wait3A_365] : memref<1015808x32xf32, #tpu.memory_space<hbm>> -> memref<1015808x32xf32, #tpu.memory_space<hbm>>
      tpu.wait_indirect_dma semaphore(%arg8 : memref<!tpu.dma_semaphore, #tpu.memory_space<semaphore_mem>>) src(%dma_wait3A_366 : memref<1015808x32xf32, #tpu.memory_space<hbm>>) dst(%dma_wait3A_360 : memref<128x32xf32, #tpu.memory_space<vmem>>)
      %dma_wait3A_367 = arith.constant 512 : i32
      %dma_wait3A_368 = arith.constant 0 : i32
      %dma_wait3A_369 = tpu.memref_slice %arg7[%dma_wait3A_367, %dma_wait3A_368] : memref<1024x32xf32, #tpu.memory_space<vmem>> -> memref<128x32xf32, #tpu.memory_space<vmem>>
      %dma_wait3A_370 = arith.constant 0 : i32
      %dma_wait3A_371 = tpu.memref_slice %arg5[%add3A_282, %dma_wait3A_370] : memref<48x128xi32, #tpu.memory_space<vmem>> -> memref<1x128xi32, #tpu.memory_space<vmem>>
      %dma_wait3A_372 = tpu.memref_squeeze %dma_wait3A_371 : memref<1x128xi32, #tpu.memory_space<vmem>> -> memref<128xi32, #tpu.memory_space<vmem>>
      %dma_wait3A_373 = arith.constant 0 : i32
      %dma_wait3A_374 = arith.constant 0 : i32
      %dma_wait3A_375 = tpu.memref_slice %arg3[%dma_wait3A_373, %dma_wait3A_374] : memref<1015808x32xf32, #tpu.memory_space<hbm>> -> memref<1015808x32xf32, #tpu.memory_space<hbm>>
      tpu.wait_indirect_dma semaphore(%arg8 : memref<!tpu.dma_semaphore, #tpu.memory_space<semaphore_mem>>) src(%dma_wait3A_375 : memref<1015808x32xf32, #tpu.memory_space<hbm>>) dst(%dma_wait3A_369 : memref<128x32xf32, #tpu.memory_space<vmem>>)
      %dma_wait3A_376 = arith.constant 640 : i32
      %dma_wait3A_377 = arith.constant 0 : i32
      %dma_wait3A_378 = tpu.memref_slice %arg7[%dma_wait3A_376, %dma_wait3A_377] : memref<1024x32xf32, #tpu.memory_space<vmem>> -> memref<128x32xf32, #tpu.memory_space<vmem>>
      %dma_wait3A_379 = arith.constant 0 : i32
      %dma_wait3A_380 = tpu.memref_slice %arg5[%add3A_295, %dma_wait3A_379] : memref<48x128xi32, #tpu.memory_space<vmem>> -> memref<1x128xi32, #tpu.memory_space<vmem>>
      %dma_wait3A_381 = tpu.memref_squeeze %dma_wait3A_380 : memref<1x128xi32, #tpu.memory_space<vmem>> -> memref<128xi32, #tpu.memory_space<vmem>>
      %dma_wait3A_382 = arith.constant 0 : i32
      %dma_wait3A_383 = arith.constant 0 : i32
      %dma_wait3A_384 = tpu.memref_slice %arg3[%dma_wait3A_382, %dma_wait3A_383] : memref<1015808x32xf32, #tpu.memory_space<hbm>> -> memref<1015808x32xf32, #tpu.memory_space<hbm>>
      tpu.wait_indirect_dma semaphore(%arg8 : memref<!tpu.dma_semaphore, #tpu.memory_space<semaphore_mem>>) src(%dma_wait3A_384 : memref<1015808x32xf32, #tpu.memory_space<hbm>>) dst(%dma_wait3A_378 : memref<128x32xf32, #tpu.memory_space<vmem>>)
      %dma_wait3A_385 = arith.constant 768 : i32
      %dma_wait3A_386 = arith.constant 0 : i32
      %dma_wait3A_387 = tpu.memref_slice %arg7[%dma_wait3A_385, %dma_wait3A_386] : memref<1024x32xf32, #tpu.memory_space<vmem>> -> memref<128x32xf32, #tpu.memory_space<vmem>>
      %dma_wait3A_388 = arith.constant 0 : i32
      %dma_wait3A_389 = tpu.memref_slice %arg5[%add3A_308, %dma_wait3A_388] : memref<48x128xi32, #tpu.memory_space<vmem>> -> memref<1x128xi32, #tpu.memory_space<vmem>>
      %dma_wait3A_390 = tpu.memref_squeeze %dma_wait3A_389 : memref<1x128xi32, #tpu.memory_space<vmem>> -> memref<128xi32, #tpu.memory_space<vmem>>
      %dma_wait3A_391 = arith.constant 0 : i32
      %dma_wait3A_392 = arith.constant 0 : i32
      %dma_wait3A_393 = tpu.memref_slice %arg3[%dma_wait3A_391, %dma_wait3A_392] : memref<1015808x32xf32, #tpu.memory_space<hbm>> -> memref<1015808x32xf32, #tpu.memory_space<hbm>>
      tpu.wait_indirect_dma semaphore(%arg8 : memref<!tpu.dma_semaphore, #tpu.memory_space<semaphore_mem>>) src(%dma_wait3A_393 : memref<1015808x32xf32, #tpu.memory_space<hbm>>) dst(%dma_wait3A_387 : memref<128x32xf32, #tpu.memory_space<vmem>>)
      %dma_wait3A_394 = arith.constant 896 : i32
      %dma_wait3A_395 = arith.constant 0 : i32
      %dma_wait3A_396 = tpu.memref_slice %arg7[%dma_wait3A_394, %dma_wait3A_395] : memref<1024x32xf32, #tpu.memory_space<vmem>> -> memref<128x32xf32, #tpu.memory_space<vmem>>
      %dma_wait3A_397 = arith.constant 0 : i32
      %dma_wait3A_398 = tpu.memref_slice %arg5[%add3A_321, %dma_wait3A_397] : memref<48x128xi32, #tpu.memory_space<vmem>> -> memref<1x128xi32, #tpu.memory_space<vmem>>
      %dma_wait3A_399 = tpu.memref_squeeze %dma_wait3A_398 : memref<1x128xi32, #tpu.memory_space<vmem>> -> memref<128xi32, #tpu.memory_space<vmem>>
      %dma_wait3A_400 = arith.constant 0 : i32
      %dma_wait3A_401 = arith.constant 0 : i32
      %dma_wait3A_402 = tpu.memref_slice %arg3[%dma_wait3A_400, %dma_wait3A_401] : memref<1015808x32xf32, #tpu.memory_space<hbm>> -> memref<1015808x32xf32, #tpu.memory_space<hbm>>
      tpu.wait_indirect_dma semaphore(%arg8 : memref<!tpu.dma_semaphore, #tpu.memory_space<semaphore_mem>>) src(%dma_wait3A_402 : memref<1015808x32xf32, #tpu.memory_space<hbm>>) dst(%dma_wait3A_396 : memref<128x32xf32, #tpu.memory_space<vmem>>)
      %mul3A_403 = arith.constant 48 : i32
      %mul3A_404 = arith.muli %add3A, %mul3A_403 : i32
      %mul3A_405 = arith.constant 8 : i32
      %mul3A_406 = arith.muli %add3A_221, %mul3A_405 : i32
      %add3A_407 = arith.addi %mul3A_404, %mul3A_406 : i32
      %mul3A_408 = arith.constant 128 : i32
      %mul3A_409 = arith.muli %add3A_407, %mul3A_408 : i32
      %dma_start3A_410 = arith.constant 0 : i32
      %dma_start3A_411 = tpu.memref_slice %arg4[%mul3A_409, %dma_start3A_410] : memref<196608x32xf32, #tpu.memory_space<hbm>> -> memref<1024x32xf32, #tpu.memory_space<hbm>>
      %dma_start3A_412 = arith.constant 0 : i32
      %dma_start3A_413 = tpu.memref_slice %arg4[%mul3A_409, %dma_start3A_412] : memref<196608x32xf32, #tpu.memory_space<hbm>> -> memref<1024x32xf32, #tpu.memory_space<hbm>>
      tpu.enqueue_dma source(%arg7 : memref<1024x32xf32, #tpu.memory_space<vmem>>) target(%dma_start3A_413 : memref<1024x32xf32, #tpu.memory_space<hbm>>) target_semaphore(%arg10 : memref<!tpu.dma_semaphore, #tpu.memory_space<semaphore_mem>>)
    }
    %scan3A_7 = arith.constant 3 : i32
    %mul3A_8 = arith.constant 48 : i32
    %mul3A_9 = arith.muli %add3A, %mul3A_8 : i32
    %add3A_10 = arith.constant 32 : i32
    %add3A_11 = arith.addi %mul3A_9, %add3A_10 : i32
    %mul3A_12 = arith.constant 128 : i32
    %mul3A_13 = arith.muli %add3A_11, %mul3A_12 : i32
    %dma_wait3A = arith.constant 0 : i32
    %dma_wait3A_14 = tpu.memref_slice %arg4[%mul3A_13, %dma_wait3A] : memref<196608x32xf32, #tpu.memory_space<hbm>> -> memref<1024x32xf32, #tpu.memory_space<hbm>>
    %dma_wait3A_15 = arith.constant 0 : i32
    %dma_wait3A_16 = tpu.memref_slice %arg4[%mul3A_13, %dma_wait3A_15] : memref<196608x32xf32, #tpu.memory_space<hbm>> -> memref<1024x32xf32, #tpu.memory_space<hbm>>
    tpu.wait_dma2 semaphore(%arg9 : memref<!tpu.dma_semaphore, #tpu.memory_space<semaphore_mem>>) src(%arg6 : memref<1024x32xf32, #tpu.memory_space<vmem>>) dst(%dma_wait3A_16 : memref<1024x32xf32, #tpu.memory_space<hbm>>)
    %mul3A_17 = arith.constant 48 : i32
    %mul3A_18 = arith.muli %add3A, %mul3A_17 : i32
    %add3A_19 = arith.constant 40 : i32
    %add3A_20 = arith.addi %mul3A_18, %add3A_19 : i32
    %mul3A_21 = arith.constant 128 : i32
    %mul3A_22 = arith.muli %add3A_20, %mul3A_21 : i32
    %dma_wait3A_23 = arith.constant 0 : i32
    %dma_wait3A_24 = tpu.memref_slice %arg4[%mul3A_22, %dma_wait3A_23] : memref<196608x32xf32, #tpu.memory_space<hbm>> -> memref<1024x32xf32, #tpu.memory_space<hbm>>
    %dma_wait3A_25 = arith.constant 0 : i32
    %dma_wait3A_26 = tpu.memref_slice %arg4[%mul3A_22, %dma_wait3A_25] : memref<196608x32xf32, #tpu.memory_space<hbm>> -> memref<1024x32xf32, #tpu.memory_space<hbm>>
    tpu.wait_dma2 semaphore(%arg10 : memref<!tpu.dma_semaphore, #tpu.memory_space<semaphore_mem>>) src(%arg7 : memref<1024x32xf32, #tpu.memory_space<vmem>>) dst(%dma_wait3A_26 : memref<1024x32xf32, #tpu.memory_space<hbm>>)
    return
  }
}

module attributes {stable_mosaic.version = 14 : i64} {
  func.func @body(%arg0: i32, %arg1: memref<32x4096xf32, #tpu.memory_space<vmem>>, %arg2: memref<32x4096xf32, #tpu.memory_space<vmem>>, %arg3: memref<32x4096xf32, #tpu.memory_space<vmem>>, %arg4: memref<32x4096xf32, #tpu.memory_space<vmem>>, %arg5: memref<4096x128xf32, #tpu.memory_space<vmem>>) attributes {dimension_semantics = [#tpu.dimension_semantics<arbitrary>], iteration_bounds = array<i64: 62>, scalar_prefetch = 0 : i64, scratch_operands = 0 : i64, tpu.core_type = #tpu.core_type<tc>, window_params = [{transform_indices = @transform_0, window_bounds = array<i64: 32, 4096>}, {transform_indices = @transform_1, window_bounds = array<i64: 32, 4096>}, {transform_indices = @transform_2, window_bounds = array<i64: 32, 4096>}, {transform_indices = @transform_3, window_bounds = array<i64: 32, 4096>}, {transform_indices = @transform_4, window_bounds = array<i64: 4096, 128>}]} {
    %get3A = arith.constant 0 : index
    %get3A_0 = arith.constant 0 : index
    %get3A_1 = vector.load %arg1[%get3A, %get3A_0] : memref<32x4096xf32, #tpu.memory_space<vmem>>, vector<32x4096xf32>
    %get3A_2 = arith.constant 0 : index
    %get3A_3 = arith.constant 0 : index
    %get3A_4 = vector.load %arg2[%get3A_2, %get3A_3] : memref<32x4096xf32, #tpu.memory_space<vmem>>, vector<32x4096xf32>
    %get3A_5 = arith.constant 0 : index
    %get3A_6 = arith.constant 0 : index
    %get3A_7 = vector.load %arg3[%get3A_5, %get3A_6] : memref<32x4096xf32, #tpu.memory_space<vmem>>, vector<32x4096xf32>
    %get3A_8 = arith.constant 0 : index
    %get3A_9 = arith.constant 0 : index
    %get3A_10 = vector.load %arg4[%get3A_8, %get3A_9] : memref<32x4096xf32, #tpu.memory_space<vmem>>, vector<32x4096xf32>
    %concatenate3A = tpu.concatenate %get3A_1, %get3A_4, %get3A_7, %get3A_10 in 0 : vector<32x4096xf32>, vector<32x4096xf32>, vector<32x4096xf32>, vector<32x4096xf32> -> vector<128x4096xf32>
    %iota3A = tpu.iota {dimensions = array<i32: 0>} : vector<128x128xi32>
    %iota3A_11 = tpu.iota {dimensions = array<i32: 1>} : vector<128x128xi32>
    %eq3A = arith.cmpi eq, %iota3A, %iota3A_11 : vector<128x128xi32>
    %convert_element_type3A = arith.extui %eq3A : vector<128x128xi1> to vector<128x128xi32>
    %convert_element_type3A_12 = arith.sitofp %convert_element_type3A : vector<128x128xi32> to vector<128x128xf32>
    %dot_general3A = arith.constant dense<0.000000e+00> : vector<4096x128xf32>
    %dot_general3A_13 = tpu.matmul %concatenate3A, %convert_element_type3A_12, %dot_general3A {dimension_numbers = #tpu.dot_dimension_numbers<[0], [0], [1], [1], [0, 1, 1, 1], [], []>, transpose_lhs_hint = false} : vector<128x4096xf32>, vector<128x128xf32>, vector<4096x128xf32> -> vector<4096x128xf32>
    %swap3A = arith.constant 0 : index
    %swap3A_14 = arith.constant 0 : index
    %swap3A_15 = vector.load %arg5[%swap3A, %swap3A_14] : memref<4096x128xf32, #tpu.memory_space<vmem>>, vector<4096x128xf32>
    tpu.vector_store %arg5[%swap3A, %swap3A_14], %dot_general3A_13 {strides = array<i32>} : memref<4096x128xf32, #tpu.memory_space<vmem>>, vector<4096x128xf32>,
    return
  }
  func.func @transform_0(%arg0: i32) -> (i32, i32) {
    %mul3A = arith.constant 4 : i32
    %mul3A_0 = arith.muli %mul3A, %arg0 : i32
    %add3A = arith.constant 0 : i32
    %add3A_1 = arith.addi %mul3A_0, %add3A : i32
    %min3A = arith.constant 244 : i32
    %min3A_2 = arith.minsi %add3A_1, %min3A : i32
    %c0_i32 = arith.constant 0 : i32
    %c0_i32_3 = arith.constant 0 : i32
    return %c0_i32, %min3A_2 : i32, i32
  }
  func.func @transform_1(%arg0: i32) -> (i32, i32) {
    %mul3A = arith.constant 4 : i32
    %mul3A_0 = arith.muli %mul3A, %arg0 : i32
    %add3A = arith.constant 1 : i32
    %add3A_1 = arith.addi %mul3A_0, %add3A : i32
    %min3A = arith.constant 244 : i32
    %min3A_2 = arith.minsi %add3A_1, %min3A : i32
    %c0_i32 = arith.constant 0 : i32
    %c0_i32_3 = arith.constant 0 : i32
    return %c0_i32, %min3A_2 : i32, i32
  }
  func.func @transform_2(%arg0: i32) -> (i32, i32) {
    %mul3A = arith.constant 4 : i32
    %mul3A_0 = arith.muli %mul3A, %arg0 : i32
    %add3A = arith.constant 2 : i32
    %add3A_1 = arith.addi %mul3A_0, %add3A : i32
    %min3A = arith.constant 244 : i32
    %min3A_2 = arith.minsi %add3A_1, %min3A : i32
    %c0_i32 = arith.constant 0 : i32
    %c0_i32_3 = arith.constant 0 : i32
    return %c0_i32, %min3A_2 : i32, i32
  }
  func.func @transform_3(%arg0: i32) -> (i32, i32) {
    %mul3A = arith.constant 4 : i32
    %mul3A_0 = arith.muli %mul3A, %arg0 : i32
    %add3A = arith.constant 3 : i32
    %add3A_1 = arith.addi %mul3A_0, %add3A : i32
    %min3A = arith.constant 244 : i32
    %min3A_2 = arith.minsi %add3A_1, %min3A : i32
    %c0_i32 = arith.constant 0 : i32
    %c0_i32_3 = arith.constant 0 : i32
    return %c0_i32, %min3A_2 : i32, i32
  }
  func.func @transform_4(%arg0: i32) -> (i32, i32) {
    %c0_i32 = arith.constant 0 : i32
    %c0_i32_0 = arith.constant 0 : i32
    return %arg0, %c0_i32 : i32, i32
  }
}

module attributes {stable_mosaic.version = 14 : i64} {
  func.func @body(%arg0: i32, %arg1: memref<2048x128xf32, #tpu.memory_space<vmem>>, %arg2: memref<2048x128xf32, #tpu.memory_space<vmem>>, %arg3: memref<1x2048x4xi32, #tpu.memory_space<vmem>>, %arg4: memref<1x2048x4xf32, #tpu.memory_space<vmem>>, %arg5: memref<32x32xf32, #tpu.memory_space<vmem>>, %arg6: memref<16x32xf32, #tpu.memory_space<vmem>>, %arg7: memref<1x1xf32, #tpu.memory_space<vmem>>) attributes {dimension_semantics = [#tpu.dimension_semantics<arbitrary>], iteration_bounds = array<i64: 12>, scalar_prefetch = 0 : i64, scratch_operands = 0 : i64, tpu.core_type = #tpu.core_type<tc>, window_params = [{transform_indices = @transform_0, window_bounds = array<i64: 2048, 128>}, {transform_indices = @transform_1, window_bounds = array<i64: 2048, 128>}, {transform_indices = @transform_2, window_bounds = array<i64: 1, 2048, 4>}, {transform_indices = @transform_3, window_bounds = array<i64: 1, 2048, 4>}, {pipeline_mode = #tpu.pipeline_mode<synchronous>, transform_indices = @transform_4, window_bounds = array<i64: 32, 32>}, {pipeline_mode = #tpu.pipeline_mode<synchronous>, transform_indices = @transform_5, window_bounds = array<i64: 16, 32>}, {pipeline_mode = #tpu.pipeline_mode<synchronous>, transform_indices = @transform_6, window_bounds = array<i64: 1, 1>}]} {
    %get3A = arith.constant 0 : index
    %get3A_0 = arith.constant 0 : index
    %get3A_1 = vector.load %arg5[%get3A, %get3A_0] : memref<32x32xf32, #tpu.memory_space<vmem>>, vector<32x32xf32>
    %concatenate3A = tpu.concatenate %get3A_1, %get3A_1, %get3A_1, %get3A_1 in 0 : vector<32x32xf32>, vector<32x32xf32>, vector<32x32xf32>, vector<32x32xf32> -> vector<128x32xf32>
    %concatenate3A_2 = tpu.concatenate %concatenate3A, %concatenate3A, %concatenate3A, %concatenate3A in 1 : vector<128x32xf32>, vector<128x32xf32>, vector<128x32xf32>, vector<128x32xf32> -> vector<128x128xf32>
    %iota3A = tpu.iota {dimensions = array<i32: 0>} : vector<128x128xi32>
    %jit3A = arith.constant 32 : i32
    %div3A = vector.broadcast %jit3A : i32 to vector<128x128xi32>
    %div3A_3 = arith.divsi %iota3A, %div3A : vector<128x128xi32>
    %sign3A = arith.constant 0 : i32
    %sign3A_4 = vector.broadcast %sign3A : i32 to vector<128x128xi32>
    %sign3A_5 = arith.cmpi sgt, %iota3A, %sign3A_4 : vector<128x128xi32>
    %sign3A_6 = arith.extui %sign3A_5 : vector<128x128xi1> to vector<128x128xi32>
    %sign3A_7 = arith.constant 0 : i32
    %sign3A_8 = vector.broadcast %sign3A_7 : i32 to vector<128x128xi32>
    %sign3A_9 = arith.cmpi slt, %iota3A, %sign3A_8 : vector<128x128xi32>
    %sign3A_10 = arith.extui %sign3A_9 : vector<128x128xi1> to vector<128x128xi32>
    %sign3A_11 = arith.subi %sign3A_6, %sign3A_10 : vector<128x128xi32>
    %sign3A_12 = arith.constant 0 : i32
    %sign3A_13 = arith.cmpi sgt, %jit3A, %sign3A_12 : i32
    %sign3A_14 = arith.extui %sign3A_13 : i1 to i32
    %sign3A_15 = arith.constant 0 : i32
    %sign3A_16 = arith.cmpi slt, %jit3A, %sign3A_15 : i32
    %sign3A_17 = arith.extui %sign3A_16 : i1 to i32
    %sign3A_18 = arith.subi %sign3A_14, %sign3A_17 : i32
    %ne3A = vector.broadcast %sign3A_18 : i32 to vector<128x128xi32>
    %ne3A_19 = arith.cmpi ne, %sign3A_11, %ne3A : vector<128x128xi32>
    %rem3A = vector.broadcast %jit3A : i32 to vector<128x128xi32>
    %rem3A_20 = arith.remsi %iota3A, %rem3A : vector<128x128xi32>
    %ne3A_21 = arith.constant 0 : i32
    %ne3A_22 = vector.broadcast %ne3A_21 : i32 to vector<128x128xi32>
    %ne3A_23 = arith.cmpi ne, %rem3A_20, %ne3A_22 : vector<128x128xi32>
    %and3A = arith.andi %ne3A_19, %ne3A_23 : vector<128x128xi1>
    %sub3A = arith.constant 1 : i32
    %sub3A_24 = vector.broadcast %sub3A : i32 to vector<128x128xi32>
    %sub3A_25 = arith.subi %div3A_3, %sub3A_24 : vector<128x128xi32>
    %select_n3A = arith.select %and3A, %sub3A_25, %div3A_3 : vector<128x128xi1>, vector<128x128xi32>
    %iota3A_26 = tpu.iota {dimensions = array<i32: 1>} : vector<128x128xi32>
    %jit3A_27 = arith.constant 32 : i32
    %div3A_28 = vector.broadcast %jit3A_27 : i32 to vector<128x128xi32>
    %div3A_29 = arith.divsi %iota3A_26, %div3A_28 : vector<128x128xi32>
    %sign3A_30 = arith.constant 0 : i32
    %sign3A_31 = vector.broadcast %sign3A_30 : i32 to vector<128x128xi32>
    %sign3A_32 = arith.cmpi sgt, %iota3A_26, %sign3A_31 : vector<128x128xi32>
    %sign3A_33 = arith.extui %sign3A_32 : vector<128x128xi1> to vector<128x128xi32>
    %sign3A_34 = arith.constant 0 : i32
    %sign3A_35 = vector.broadcast %sign3A_34 : i32 to vector<128x128xi32>
    %sign3A_36 = arith.cmpi slt, %iota3A_26, %sign3A_35 : vector<128x128xi32>
    %sign3A_37 = arith.extui %sign3A_36 : vector<128x128xi1> to vector<128x128xi32>
    %sign3A_38 = arith.subi %sign3A_33, %sign3A_37 : vector<128x128xi32>
    %sign3A_39 = arith.constant 0 : i32
    %sign3A_40 = arith.cmpi sgt, %jit3A_27, %sign3A_39 : i32
    %sign3A_41 = arith.extui %sign3A_40 : i1 to i32
    %sign3A_42 = arith.constant 0 : i32
    %sign3A_43 = arith.cmpi slt, %jit3A_27, %sign3A_42 : i32
    %sign3A_44 = arith.extui %sign3A_43 : i1 to i32
    %sign3A_45 = arith.subi %sign3A_41, %sign3A_44 : i32
    %ne3A_46 = vector.broadcast %sign3A_45 : i32 to vector<128x128xi32>
    %ne3A_47 = arith.cmpi ne, %sign3A_38, %ne3A_46 : vector<128x128xi32>
    %rem3A_48 = vector.broadcast %jit3A_27 : i32 to vector<128x128xi32>
    %rem3A_49 = arith.remsi %iota3A_26, %rem3A_48 : vector<128x128xi32>
    %ne3A_50 = arith.constant 0 : i32
    %ne3A_51 = vector.broadcast %ne3A_50 : i32 to vector<128x128xi32>
    %ne3A_52 = arith.cmpi ne, %rem3A_49, %ne3A_51 : vector<128x128xi32>
    %and3A_53 = arith.andi %ne3A_47, %ne3A_52 : vector<128x128xi1>
    %sub3A_54 = arith.constant 1 : i32
    %sub3A_55 = vector.broadcast %sub3A_54 : i32 to vector<128x128xi32>
    %sub3A_56 = arith.subi %div3A_29, %sub3A_55 : vector<128x128xi32>
    %select_n3A_57 = arith.select %and3A_53, %sub3A_56, %div3A_29 : vector<128x128xi1>, vector<128x128xi32>
    %eq3A = arith.cmpi eq, %select_n3A, %select_n3A_57 : vector<128x128xi32>
    %convert_element_type3A = arith.extui %eq3A : vector<128x128xi1> to vector<128x128xi32>
    %convert_element_type3A_58 = arith.sitofp %convert_element_type3A : vector<128x128xi32> to vector<128x128xf32>
    %mul3A = arith.mulf %concatenate3A_2, %convert_element_type3A_58 : vector<128x128xf32>
    %get3A_59 = arith.constant 0 : index
    %get3A_60 = arith.constant 0 : index
    %get3A_61 = vector.load %arg6[%get3A_59, %get3A_60] : memref<16x32xf32, #tpu.memory_space<vmem>>, vector<16x32xf32>
    %concatenate3A_62 = tpu.concatenate %get3A_61, %get3A_61, %get3A_61, %get3A_61 in 0 : vector<16x32xf32>, vector<16x32xf32>, vector<16x32xf32>, vector<16x32xf32> -> vector<64x32xf32>
    %iota3A_63 = tpu.iota {dimensions = array<i32: 0>} : vector<64x1xi32>
    %jit3A_64 = arith.constant 16 : i32
    %div3A_65 = vector.broadcast %jit3A_64 : i32 to vector<64x1xi32>
    %div3A_66 = arith.divsi %iota3A_63, %div3A_65 : vector<64x1xi32>
    %sign3A_67 = arith.constant 0 : i32
    %sign3A_68 = vector.broadcast %sign3A_67 : i32 to vector<64x1xi32>
    %sign3A_69 = arith.cmpi sgt, %iota3A_63, %sign3A_68 : vector<64x1xi32>
    %sign3A_70 = arith.extui %sign3A_69 : vector<64x1xi1> to vector<64x1xi32>
    %sign3A_71 = arith.constant 0 : i32
    %sign3A_72 = vector.broadcast %sign3A_71 : i32 to vector<64x1xi32>
    %sign3A_73 = arith.cmpi slt, %iota3A_63, %sign3A_72 : vector<64x1xi32>
    %sign3A_74 = arith.extui %sign3A_73 : vector<64x1xi1> to vector<64x1xi32>
    %sign3A_75 = arith.subi %sign3A_70, %sign3A_74 : vector<64x1xi32>
    %sign3A_76 = arith.constant 0 : i32
    %sign3A_77 = arith.cmpi sgt, %jit3A_64, %sign3A_76 : i32
    %sign3A_78 = arith.extui %sign3A_77 : i1 to i32
    %sign3A_79 = arith.constant 0 : i32
    %sign3A_80 = arith.cmpi slt, %jit3A_64, %sign3A_79 : i32
    %sign3A_81 = arith.extui %sign3A_80 : i1 to i32
    %sign3A_82 = arith.subi %sign3A_78, %sign3A_81 : i32
    %ne3A_83 = vector.broadcast %sign3A_82 : i32 to vector<64x1xi32>
    %ne3A_84 = arith.cmpi ne, %sign3A_75, %ne3A_83 : vector<64x1xi32>
    %rem3A_85 = vector.broadcast %jit3A_64 : i32 to vector<64x1xi32>
    %rem3A_86 = arith.remsi %iota3A_63, %rem3A_85 : vector<64x1xi32>
    %ne3A_87 = arith.constant 0 : i32
    %ne3A_88 = vector.broadcast %ne3A_87 : i32 to vector<64x1xi32>
    %ne3A_89 = arith.cmpi ne, %rem3A_86, %ne3A_88 : vector<64x1xi32>
    %and3A_90 = arith.andi %ne3A_84, %ne3A_89 : vector<64x1xi1>
    %sub3A_91 = arith.constant 1 : i32
    %sub3A_92 = vector.broadcast %sub3A_91 : i32 to vector<64x1xi32>
    %sub3A_93 = arith.subi %div3A_66, %sub3A_92 : vector<64x1xi32>
    %select_n3A_94 = arith.select %and3A_90, %sub3A_93, %div3A_66 : vector<64x1xi1>, vector<64x1xi32>
    %eq3A_95 = arith.constant 0 : i32
    %eq3A_96 = vector.broadcast %eq3A_95 : i32 to vector<64x1xi32>
    %eq3A_97 = arith.cmpi eq, %select_n3A_94, %eq3A_96 : vector<64x1xi32>
    %convert_element_type3A_98 = arith.extui %eq3A_97 : vector<64x1xi1> to vector<64x1xi32>
    %convert_element_type3A_99 = arith.sitofp %convert_element_type3A_98 : vector<64x1xi32> to vector<64x1xf32>
    %mul3A_100 = vector.broadcast %convert_element_type3A_99 : vector<64x1xf32> to vector<64x32xf32>
    %mul3A_101 = arith.mulf %concatenate3A_62, %mul3A_100 : vector<64x32xf32>
    %eq3A_102 = arith.constant 1 : i32
    %eq3A_103 = vector.broadcast %eq3A_102 : i32 to vector<64x1xi32>
    %eq3A_104 = arith.cmpi eq, %select_n3A_94, %eq3A_103 : vector<64x1xi32>
    %convert_element_type3A_105 = arith.extui %eq3A_104 : vector<64x1xi1> to vector<64x1xi32>
    %convert_element_type3A_106 = arith.sitofp %convert_element_type3A_105 : vector<64x1xi32> to vector<64x1xf32>
    %mul3A_107 = vector.broadcast %convert_element_type3A_106 : vector<64x1xf32> to vector<64x32xf32>
    %mul3A_108 = arith.mulf %concatenate3A_62, %mul3A_107 : vector<64x32xf32>
    %eq3A_109 = arith.constant 2 : i32
    %eq3A_110 = vector.broadcast %eq3A_109 : i32 to vector<64x1xi32>
    %eq3A_111 = arith.cmpi eq, %select_n3A_94, %eq3A_110 : vector<64x1xi32>
    %convert_element_type3A_112 = arith.extui %eq3A_111 : vector<64x1xi1> to vector<64x1xi32>
    %convert_element_type3A_113 = arith.sitofp %convert_element_type3A_112 : vector<64x1xi32> to vector<64x1xf32>
    %mul3A_114 = vector.broadcast %convert_element_type3A_113 : vector<64x1xf32> to vector<64x32xf32>
    %mul3A_115 = arith.mulf %concatenate3A_62, %mul3A_114 : vector<64x32xf32>
    %eq3A_116 = arith.constant 3 : i32
    %eq3A_117 = vector.broadcast %eq3A_116 : i32 to vector<64x1xi32>
    %eq3A_118 = arith.cmpi eq, %select_n3A_94, %eq3A_117 : vector<64x1xi32>
    %convert_element_type3A_119 = arith.extui %eq3A_118 : vector<64x1xi1> to vector<64x1xi32>
    %convert_element_type3A_120 = arith.sitofp %convert_element_type3A_119 : vector<64x1xi32> to vector<64x1xf32>
    %mul3A_121 = vector.broadcast %convert_element_type3A_120 : vector<64x1xf32> to vector<64x32xf32>
    %mul3A_122 = arith.mulf %concatenate3A_62, %mul3A_121 : vector<64x32xf32>
    %concatenate3A_123 = tpu.concatenate %mul3A_101, %mul3A_108, %mul3A_115, %mul3A_122 in 1 : vector<64x32xf32>, vector<64x32xf32>, vector<64x32xf32>, vector<64x32xf32> -> vector<64x128xf32>
    %get3A_124 = arith.constant 0 : index
    %get3A_125 = arith.constant 0 : index
    %get3A_126 = arith.constant 0 : index
    %get3A_127 = vector.load %arg3[%get3A_124, %get3A_125, %get3A_126] : memref<1x2048x4xi32, #tpu.memory_space<vmem>>, vector<1x2048x4xi32>
    %get3A_128 = vector.shape_cast %get3A_127 : vector<1x2048x4xi32> to vector<2048x4xi32>
    %convert_element_type3A_129 = arith.sitofp %get3A_128 : vector<2048x4xi32> to vector<2048x4xf32>
    %iota3A_130 = tpu.iota {dimensions = array<i32: 1>} : vector<4x64xi32>
    %jit3A_131 = arith.constant 16 : i32
    %div3A_132 = vector.broadcast %jit3A_131 : i32 to vector<4x64xi32>
    %div3A_133 = arith.divsi %iota3A_130, %div3A_132 : vector<4x64xi32>
    %sign3A_134 = arith.constant 0 : i32
    %sign3A_135 = vector.broadcast %sign3A_134 : i32 to vector<4x64xi32>
    %sign3A_136 = arith.cmpi sgt, %iota3A_130, %sign3A_135 : vector<4x64xi32>
    %sign3A_137 = arith.extui %sign3A_136 : vector<4x64xi1> to vector<4x64xi32>
    %sign3A_138 = arith.constant 0 : i32
    %sign3A_139 = vector.broadcast %sign3A_138 : i32 to vector<4x64xi32>
    %sign3A_140 = arith.cmpi slt, %iota3A_130, %sign3A_139 : vector<4x64xi32>
    %sign3A_141 = arith.extui %sign3A_140 : vector<4x64xi1> to vector<4x64xi32>
    %sign3A_142 = arith.subi %sign3A_137, %sign3A_141 : vector<4x64xi32>
    %sign3A_143 = arith.constant 0 : i32
    %sign3A_144 = arith.cmpi sgt, %jit3A_131, %sign3A_143 : i32
    %sign3A_145 = arith.extui %sign3A_144 : i1 to i32
    %sign3A_146 = arith.constant 0 : i32
    %sign3A_147 = arith.cmpi slt, %jit3A_131, %sign3A_146 : i32
    %sign3A_148 = arith.extui %sign3A_147 : i1 to i32
    %sign3A_149 = arith.subi %sign3A_145, %sign3A_148 : i32
    %ne3A_150 = vector.broadcast %sign3A_149 : i32 to vector<4x64xi32>
    %ne3A_151 = arith.cmpi ne, %sign3A_142, %ne3A_150 : vector<4x64xi32>
    %rem3A_152 = vector.broadcast %jit3A_131 : i32 to vector<4x64xi32>
    %rem3A_153 = arith.remsi %iota3A_130, %rem3A_152 : vector<4x64xi32>
    %ne3A_154 = arith.constant 0 : i32
    %ne3A_155 = vector.broadcast %ne3A_154 : i32 to vector<4x64xi32>
    %ne3A_156 = arith.cmpi ne, %rem3A_153, %ne3A_155 : vector<4x64xi32>
    %and3A_157 = arith.andi %ne3A_151, %ne3A_156 : vector<4x64xi1>
    %sub3A_158 = arith.constant 1 : i32
    %sub3A_159 = vector.broadcast %sub3A_158 : i32 to vector<4x64xi32>
    %sub3A_160 = arith.subi %div3A_133, %sub3A_159 : vector<4x64xi32>
    %select_n3A_161 = arith.select %and3A_157, %sub3A_160, %div3A_133 : vector<4x64xi1>, vector<4x64xi32>
    %iota3A_162 = tpu.iota {dimensions = array<i32: 0>} : vector<4x64xi32>
    %eq3A_163 = arith.cmpi eq, %select_n3A_161, %iota3A_162 : vector<4x64xi32>
    %convert_element_type3A_164 = arith.extui %eq3A_163 : vector<4x64xi1> to vector<4x64xi32>
    %convert_element_type3A_165 = arith.sitofp %convert_element_type3A_164 : vector<4x64xi32> to vector<4x64xf32>
    %dot_general3A = arith.constant dense<0.000000e+00> : vector<2048x64xf32>
    %dot_general3A_166 = tpu.matmul %convert_element_type3A_129, %convert_element_type3A_165, %dot_general3A {dimension_numbers = #tpu.dot_dimension_numbers<[1], [0], [0], [1], [0, 0, 1, 1], [], []>, transpose_lhs_hint = false} : vector<2048x4xf32>, vector<4x64xf32>, vector<2048x64xf32> -> vector<2048x64xf32>
    %iota3A_167 = tpu.iota {dimensions = array<i32: 1>} : vector<2048x64xi32>
    %jit3A_168 = arith.constant 16 : i32
    %eq3A_169 = arith.constant 0 : i32
    %eq3A_170 = arith.cmpi eq, %jit3A_168, %eq3A_169 : i32
    %jit3A_171 = arith.constant 1 : i32
    %select_n3A_172 = arith.select %eq3A_170, %jit3A_171, %jit3A_168 : i32
    %rem3A_173 = vector.broadcast %select_n3A_172 : i32 to vector<2048x64xi32>
    %rem3A_174 = arith.remsi %iota3A_167, %rem3A_173 : vector<2048x64xi32>
    %ne3A_175 = arith.constant 0 : i32
    %ne3A_176 = vector.broadcast %ne3A_175 : i32 to vector<2048x64xi32>
    %ne3A_177 = arith.cmpi ne, %rem3A_174, %ne3A_176 : vector<2048x64xi32>
    %lt3A = arith.constant 0 : i32
    %lt3A_178 = vector.broadcast %lt3A : i32 to vector<2048x64xi32>
    %lt3A_179 = arith.cmpi slt, %rem3A_174, %lt3A_178 : vector<2048x64xi32>
    %lt3A_180 = arith.constant 0 : i32
    %lt3A_181 = arith.cmpi slt, %select_n3A_172, %lt3A_180 : i32
    %ne3A_182 = vector.broadcast %lt3A_181 : i1 to vector<2048x64xi1>
    %ne3A_183 = vector.broadcast %ne3A_182 : vector<2048x64xi1> to vector<2048x64xi1>
    %ne3A_184 = arith.xori %lt3A_179, %ne3A_183 : vector<2048x64xi1>
    %and3A_185 = arith.andi %ne3A_184, %ne3A_177 : vector<2048x64xi1>
    %add3A = vector.broadcast %select_n3A_172 : i32 to vector<2048x64xi32>
    %add3A_186 = arith.addi %rem3A_174, %add3A : vector<2048x64xi32>
    %select_n3A_187 = arith.select %and3A_185, %add3A_186, %rem3A_174 : vector<2048x64xi1>, vector<2048x64xi32>
    %convert_element_type3A_188 = arith.sitofp %select_n3A_187 : vector<2048x64xi32> to vector<2048x64xf32>
    %sub3A_189 = arith.subf %dot_general3A_166, %convert_element_type3A_188 : vector<2048x64xf32>
    %abs3A = math.absf %sub3A_189 : vector<2048x64xf32>
    %lt3A_190 = arith.constant 5.000000e-01 : f32
    %lt3A_191 = vector.broadcast %lt3A_190 : f32 to vector<2048x64xf32>
    %lt3A_192 = arith.cmpf olt, %abs3A, %lt3A_191 : vector<2048x64xf32>
    %convert_element_type3A_193 = arith.extui %lt3A_192 : vector<2048x64xi1> to vector<2048x64xi32>
    %convert_element_type3A_194 = arith.sitofp %convert_element_type3A_193 : vector<2048x64xi32> to vector<2048x64xf32>
    %dot_general3A_195 = arith.constant dense<0.000000e+00> : vector<2048x128xf32>
    %dot_general3A_196 = tpu.matmul %convert_element_type3A_194, %concatenate3A_123, %dot_general3A_195 {dimension_numbers = #tpu.dot_dimension_numbers<[1], [0], [0], [1], [0, 0, 1, 1], [], []>, transpose_lhs_hint = false} : vector<2048x64xf32>, vector<64x128xf32>, vector<2048x128xf32> -> vector<2048x128xf32>
    %get3A_197 = arith.constant 0 : index
    %get3A_198 = arith.constant 0 : index
    %get3A_199 = vector.load %arg1[%get3A_197, %get3A_198] : memref<2048x128xf32, #tpu.memory_space<vmem>>, vector<2048x128xf32>
    %dot_general3A_200 = arith.constant dense<0.000000e+00> : vector<2048x128xf32>
    %dot_general3A_201 = tpu.matmul %get3A_199, %mul3A, %dot_general3A_200 {dimension_numbers = #tpu.dot_dimension_numbers<[1], [0], [0], [1], [0, 0, 1, 1], [], []>, transpose_lhs_hint = false} : vector<2048x128xf32>, vector<128x128xf32>, vector<2048x128xf32> -> vector<2048x128xf32>
    %get3A_202 = arith.constant 0 : index
    %get3A_203 = arith.constant 0 : index
    %get3A_204 = vector.load %arg2[%get3A_202, %get3A_203] : memref<2048x128xf32, #tpu.memory_space<vmem>>, vector<2048x128xf32>
    %dot_general3A_205 = arith.constant dense<0.000000e+00> : vector<2048x128xf32>
    %dot_general3A_206 = tpu.matmul %get3A_204, %mul3A, %dot_general3A_205 {dimension_numbers = #tpu.dot_dimension_numbers<[1], [0], [0], [1], [0, 0, 1, 1], [], []>, transpose_lhs_hint = false} : vector<2048x128xf32>, vector<128x128xf32>, vector<2048x128xf32> -> vector<2048x128xf32>
    %add3A_207 = arith.addf %dot_general3A_201, %dot_general3A_196 : vector<2048x128xf32>
    %add3A_208 = arith.addf %dot_general3A_206, %dot_general3A_196 : vector<2048x128xf32>
    %mul3A_209 = arith.mulf %add3A_207, %add3A_208 : vector<2048x128xf32>
    %iota3A_210 = tpu.iota {dimensions = array<i32: 0>} : vector<128x4xi32>
    %jit3A_211 = arith.constant 32 : i32
    %div3A_212 = vector.broadcast %jit3A_211 : i32 to vector<128x4xi32>
    %div3A_213 = arith.divsi %iota3A_210, %div3A_212 : vector<128x4xi32>
    %sign3A_214 = arith.constant 0 : i32
    %sign3A_215 = vector.broadcast %sign3A_214 : i32 to vector<128x4xi32>
    %sign3A_216 = arith.cmpi sgt, %iota3A_210, %sign3A_215 : vector<128x4xi32>
    %sign3A_217 = arith.extui %sign3A_216 : vector<128x4xi1> to vector<128x4xi32>
    %sign3A_218 = arith.constant 0 : i32
    %sign3A_219 = vector.broadcast %sign3A_218 : i32 to vector<128x4xi32>
    %sign3A_220 = arith.cmpi slt, %iota3A_210, %sign3A_219 : vector<128x4xi32>
    %sign3A_221 = arith.extui %sign3A_220 : vector<128x4xi1> to vector<128x4xi32>
    %sign3A_222 = arith.subi %sign3A_217, %sign3A_221 : vector<128x4xi32>
    %sign3A_223 = arith.constant 0 : i32
    %sign3A_224 = arith.cmpi sgt, %jit3A_211, %sign3A_223 : i32
    %sign3A_225 = arith.extui %sign3A_224 : i1 to i32
    %sign3A_226 = arith.constant 0 : i32
    %sign3A_227 = arith.cmpi slt, %jit3A_211, %sign3A_226 : i32
    %sign3A_228 = arith.extui %sign3A_227 : i1 to i32
    %sign3A_229 = arith.subi %sign3A_225, %sign3A_228 : i32
    %ne3A_230 = vector.broadcast %sign3A_229 : i32 to vector<128x4xi32>
    %ne3A_231 = arith.cmpi ne, %sign3A_222, %ne3A_230 : vector<128x4xi32>
    %rem3A_232 = vector.broadcast %jit3A_211 : i32 to vector<128x4xi32>
    %rem3A_233 = arith.remsi %iota3A_210, %rem3A_232 : vector<128x4xi32>
    %ne3A_234 = arith.constant 0 : i32
    %ne3A_235 = vector.broadcast %ne3A_234 : i32 to vector<128x4xi32>
    %ne3A_236 = arith.cmpi ne, %rem3A_233, %ne3A_235 : vector<128x4xi32>
    %and3A_237 = arith.andi %ne3A_231, %ne3A_236 : vector<128x4xi1>
    %sub3A_238 = arith.constant 1 : i32
    %sub3A_239 = vector.broadcast %sub3A_238 : i32 to vector<128x4xi32>
    %sub3A_240 = arith.subi %div3A_213, %sub3A_239 : vector<128x4xi32>
    %select_n3A_241 = arith.select %and3A_237, %sub3A_240, %div3A_213 : vector<128x4xi1>, vector<128x4xi32>
    %iota3A_242 = tpu.iota {dimensions = array<i32: 1>} : vector<128x4xi32>
    %eq3A_243 = arith.cmpi eq, %select_n3A_241, %iota3A_242 : vector<128x4xi32>
    %convert_element_type3A_244 = arith.extui %eq3A_243 : vector<128x4xi1> to vector<128x4xi32>
    %convert_element_type3A_245 = arith.sitofp %convert_element_type3A_244 : vector<128x4xi32> to vector<128x4xf32>
    %dot_general3A_246 = arith.constant dense<0.000000e+00> : vector<2048x4xf32>
    %dot_general3A_247 = tpu.matmul %mul3A_209, %convert_element_type3A_245, %dot_general3A_246 {dimension_numbers = #tpu.dot_dimension_numbers<[1], [0], [0], [1], [0, 0, 1, 1], [], []>, transpose_lhs_hint = false} : vector<2048x128xf32>, vector<128x4xf32>, vector<2048x4xf32> -> vector<2048x4xf32>
    %get3A_248 = arith.constant 0 : index
    %get3A_249 = arith.constant 0 : index
    %get3A_250 = arith.constant 0 : index
    %get3A_251 = vector.load %arg4[%get3A_248, %get3A_249, %get3A_250] : memref<1x2048x4xf32, #tpu.memory_space<vmem>>, vector<1x2048x4xf32>
    %get3A_252 = vector.shape_cast %get3A_251 : vector<1x2048x4xf32> to vector<2048x4xf32>
    %mul3A_253 = arith.mulf %get3A_252, %dot_general3A_247 : vector<2048x4xf32>
    %min3A = arith.constant 0.000000e+00 : f32
    %min3A_254 = vector.broadcast %min3A : f32 to vector<2048x4xf32>
    %min3A_255 = arith.minimumf %mul3A_253, %min3A_254 : vector<2048x4xf32>
    %abs3A_256 = math.absf %mul3A_253 : vector<2048x4xf32>
    %neg3A = arith.constant 0.000000e+00 : f32
    %neg3A_257 = vector.broadcast %neg3A : f32 to vector<2048x4xf32>
    %neg3A_258 = arith.subf %neg3A_257, %abs3A_256 : vector<2048x4xf32>
    %exp3A = math.exp %neg3A_258 : vector<2048x4xf32>
    %log1p3A = math.log1p %exp3A : vector<2048x4xf32>
    %sub3A_259 = arith.subf %min3A_255, %log1p3A : vector<2048x4xf32>
    %reduce_sum3A = vector.shape_cast %sub3A_259 : vector<2048x4xf32> to vector<1x2048x4xf32>
    %reduce_sum3A_260 = arith.constant dense<0.000000e+00> : vector<1xf32>
    %reduce_sum3A_261 = vector.multi_reduction <add>, %reduce_sum3A, %reduce_sum3A_260 [1, 2] : vector<1x2048x4xf32> to vector<1xf32>
    %reduce_sum3A_262 = vector.shape_cast %reduce_sum3A_261 : vector<1xf32> to vector<1x1x1xf32>
    %reduce_sum3A_263 = vector.extract %reduce_sum3A_262[0, 0, 0] : f32 from vector<1x1x1xf32>
    %broadcast_in_dim3A = vector.broadcast %reduce_sum3A_263 : f32 to vector<1x1xf32>
    %neg3A_264 = arith.constant 0.000000e+00 : f32
    %neg3A_265 = vector.broadcast %neg3A_264 : f32 to vector<1x1xf32>
    %neg3A_266 = arith.subf %neg3A_265, %broadcast_in_dim3A : vector<1x1xf32>
    %eq3A_267 = arith.constant 0 : i32
    %eq3A_268 = arith.cmpi eq, %arg0, %eq3A_267 : i32
    %convert_element_type3A_269 = arith.extui %eq3A_268 : i1 to i32
    %cond3A = arith.constant 0 : i32
    %cond3A_270 = arith.cmpi ne, %convert_element_type3A_269, %cond3A : i32
    scf.if %cond3A_270 {
      %broadcast_in_dim3A_277 = arith.constant 0.000000e+00 : f32
      %broadcast_in_dim3A_278 = vector.broadcast %broadcast_in_dim3A_277 : f32 to vector<1x1xf32>
      %swap3A_279 = arith.constant 0 : index
      %swap3A_280 = arith.constant 0 : index
      %swap3A_281 = vector.load %arg7[%swap3A_279, %swap3A_280] : memref<1x1xf32, #tpu.memory_space<vmem>>, vector<1x1xf32>
      tpu.vector_store %arg7[%swap3A_279, %swap3A_280], %broadcast_in_dim3A_278 {strides = array<i32>} : memref<1x1xf32, #tpu.memory_space<vmem>>, vector<1x1xf32>,
    } else {
    }
    %get3A_271 = arith.constant 0 : index
    %get3A_272 = arith.constant 0 : index
    %get3A_273 = vector.load %arg7[%get3A_271, %get3A_272] : memref<1x1xf32, #tpu.memory_space<vmem>>, vector<1x1xf32>
    %add3A_274 = arith.addf %get3A_273, %neg3A_266 : vector<1x1xf32>
    %swap3A = arith.constant 0 : index
    %swap3A_275 = arith.constant 0 : index
    %swap3A_276 = vector.load %arg7[%swap3A, %swap3A_275] : memref<1x1xf32, #tpu.memory_space<vmem>>, vector<1x1xf32>
    tpu.vector_store %arg7[%swap3A, %swap3A_275], %add3A_274 {strides = array<i32>} : memref<1x1xf32, #tpu.memory_space<vmem>>, vector<1x1xf32>,
    return
  }
  func.func @transform_0(%arg0: i32) -> (i32, i32) {
    %c0_i32 = arith.constant 0 : i32
    %c0_i32_0 = arith.constant 0 : i32
    return %arg0, %c0_i32 : i32, i32
  }
  func.func @transform_1(%arg0: i32) -> (i32, i32) {
    %add3A = arith.constant 12 : i32
    %add3A_0 = arith.addi %arg0, %add3A : i32
    %c0_i32 = arith.constant 0 : i32
    %c0_i32_1 = arith.constant 0 : i32
    return %add3A_0, %c0_i32 : i32, i32
  }
  func.func @transform_2(%arg0: i32) -> (i32, i32, i32) {
    %c0_i32 = arith.constant 0 : i32
    %c0_i32_0 = arith.constant 0 : i32
    %c0_i32_1 = arith.constant 0 : i32
    return %arg0, %c0_i32, %c0_i32_0 : i32, i32, i32
  }
  func.func @transform_3(%arg0: i32) -> (i32, i32, i32) {
    %c0_i32 = arith.constant 0 : i32
    %c0_i32_0 = arith.constant 0 : i32
    %c0_i32_1 = arith.constant 0 : i32
    return %arg0, %c0_i32, %c0_i32_0 : i32, i32, i32
  }
  func.func @transform_4(%arg0: i32) -> (i32, i32) {
    %c0_i32 = arith.constant 0 : i32
    %c0_i32_0 = arith.constant 0 : i32
    %c0_i32_1 = arith.constant 0 : i32
    return %c0_i32, %c0_i32_0 : i32, i32
  }
  func.func @transform_5(%arg0: i32) -> (i32, i32) {
    %c0_i32 = arith.constant 0 : i32
    %c0_i32_0 = arith.constant 0 : i32
    %c0_i32_1 = arith.constant 0 : i32
    return %c0_i32, %c0_i32_0 : i32, i32
  }
  func.func @transform_6(%arg0: i32) -> (i32, i32) {
    %c0_i32 = arith.constant 0 : i32
    %c0_i32_0 = arith.constant 0 : i32
    %c0_i32_1 = arith.constant 0 : i32
    return %c0_i32, %c0_i32_0 : i32, i32
  }
}

</mosaic_0001>

<sc_bundles>
// kernel: kernel.5.cloned.1.call-start
scs
__scs_entry_jumppad:
0x0: {  	(pc) =	sbr.rel $0x88, $3  }
0x1: {  	(tag) =	ssettag $0x0;
	lr =	simm.s32 $0x1  }
0x2: {  	[smem:$0x3F9A] =	sst lr;
	_ =	strace $0xD0000000  }
0x3: {  	_ = 	snop  }
0x4: {  	_ = 	snop  }
0x5: {  	_ = 	snop  }
0x6: {  	_ = 	snop  }
0x7: {  	_ = 	snop  }
__scs_overlays_trampoline_lowered:
0x8: {  	[smem:$0x3FA9] =	sst s0  }
0x9: {  	[smem:$0x3FAA] =	sst s1  }
0xa: {  	[smem:$0x3FAB] =	sst s2  }
0xb: {  	[smem:$0x3FAC] =	sst s3  }
0xc: {  	[smem:$0x3FAD] =	sst s4  }
0xd: {  	[smem:$0x3FAE] =	sst s5  }
0xe: {  	[smem:$0x3FAF] =	sst s6  }
0xf: {  	[smem:$0x3FB0] =	sst s7  }
0x10: {  	[smem:$0x3FB1] =	sst s8  }
0x11: {  	[smem:$0x3FB2] =	sst s9;
	s0 =	simm.s32 @!p0 $0x0  }
0x12: {  	s1 =	sld [smem:$0x3F98];
	s0 =	simm.s32 @p0 $0x1  }
0x13: {  	[smem:$0x3FB3] =	sst s0;
	s0 =	simm.s32 @!p1 $0x0  }
0x14: {  	s2 =	sld [smem:$0x3F97];
	s0 =	simm.s32 @p1 $0x1  }
0x15: {  	[smem:$0x3FB4] =	sst s0;
	s0 =	simm.s32 @!p2 $0x0  }
0x16: {  	s3 =	sld [smem:$0x3FDB];
	s0 =	simm.s32 @p2 $0x1  }
0x17: {  	s4 =	simm.s32 $0x1BF5;
	[smem:$0x3FB6] =	sst s0  }
0x18: {  	s0 =	sld [smem:$0x3F99];
	_ =	swait.ge [sflag:s4], $0x0  }
0x19: {  	s7 =	sld [smem:$0x3F9A]  }
0x1a: {  	s8 =	sadd.s32 $0xFFFFE003, lr  }
0x1b: {  	s9 =	sadd.s32 $0xFFFFFEF7, lr;
	s5 =	simm.s32 $0xFFFFFFFF;
	p2 =	slt.u32 s8, $0xFFFFF086  }
0x1c: {  	p1 =	slt.u32 s9, $0xF7A;
	s5 =	simm.s32 @!p2 $0x0  }
0x1d: {  	s5 =	simm.s32 @p1 $0x1;
	p0 =	seq.s32 s7, s2  }
0x1e: {  	s7 =	smul.u32 @!p0 $0xF7A, s2;
	p2 =	seq.s32 @!p0 s5, $0x0  }
0x1f: {  	s9 =	smul.u32 $0xF7A, s1;
	s8 =	simm.s32 @!p0 $0x1BF5;
	p2 =	por !p2, p0  }
0x20: {  	[sflag:s8] =	ssyncset.s32 @!p0 $0xFFFFF086;
	s6 =	sadd.s32 @!p0 s3, s7;
	s7 =	simm.s32 @!p0 $0x108  }
0x21: {  	s3 =	sadd.s32 s3, s9;
	s6 =	sadd.s32 @!p0 $0x88, s6;
	s7 =	simm.s32 @p2 $0x1082  }
0x22: {  	[simem:s7], [sflag:s8] =	dma.local @!p0 [hbm:s6], $0xF7A  }
0x23: {  	s9 =	sor.u32 $0xD0000000, s2;
	s6 =	simm.s32 $0x108;
	_ =	swait.ge @!p0 [sflag:s8], $0x0  }
0x24: {  	s3 =	sadd.s32 $0x88, s3;
	s6 =	simm.s32 @!p1 $0x1082;
	[sflag:s4] =	ssyncset.s32 $0xFFFFF086  }
0x25: {  	[simem:s6], [sflag:s4] =	dma.local [hbm:s3], $0xF7A  }
0x26: {  	[smem:$0x3F9A] =	sst s1;
	(tag) =	ssettag s2;
	_ =	strace s9  }
0x27: {  	s1 =	sld [smem:$0x3FAA]  }
0x28: {  	s2 =	sld [smem:$0x3FAB]  }
0x29: {  	s4 =	sld [smem:$0x3FAD]  }
0x2a: {  	p0 =	seq.s32 s5, $0x0;
	s5 =	sld [smem:$0x3FAE]  }
0x2b: {  	s6 =	sld [smem:$0x3FAF]  }
0x2c: {  	s7 =	sld [smem:$0x3FB0]  }
0x2d: {  	s3 =	simm.s32 $0x108;
	s8 =	sld [smem:$0x3FB1]  }
0x2e: {  	s3 =	simm.s32 @!p0 $0x1082;
	s9 =	sld [smem:$0x3FB2]  }
0x2f: {  	lr =	sadd.s32 s0, s3;
	s0 =	sld [smem:$0x3FA9]  }
0x30: {  	s3 =	sld [smem:$0x3FAC]  }
0x31: {  	[smem:$0x3FB5] =	sst s10  }
0x32: {  	s10 =	sld [smem:$0x3FB3];
	_ =	sdelay $0x3  }
0x33: {  	p0 =	seq.s32 s10, $0x1;
	s10 =	sld [smem:$0x3FB5];
	_ =	sdelay $0x3  }
0x34: {  	[smem:$0x3FB5] =	sst s10  }
0x35: {  	s10 =	sld [smem:$0x3FB4];
	_ =	sdelay $0x3  }
0x36: {  	p1 =	seq.s32 s10, $0x1;
	s10 =	sld [smem:$0x3FB5];
	_ =	sdelay $0x3  }
0x37: {  	[smem:$0x3FB5] =	sst s10  }
0x38: {  	s10 =	sld [smem:$0x3FB6]  }
0x39: {  	_ = 	snop;
	(pc) =	sbr.ind lr, $3  }
0x3a: {  	_ = 	snop  }
0x3b: {  	_ = 	snop  }
0x3c: {  	p2 =	seq.s32 s10, $0x1;
	s10 =	sld [smem:$0x3FB5]  }
0x3d: {  	_ =	shalt  }
0x3e: {  	_ =	shalt  }
0x3f: {  	_ =	shalt  }
0x40: {  	_ =	shalt  }
0x41: {  	_ =	shalt  }
0x42: {  	_ =	shalt  }
0x43: {  	_ =	shalt  }
0x44: {  	_ =	shalt  }
0x45: {  	_ =	shalt  }
0x46: {  	_ =	shalt  }
0x47: {  	_ =	shalt  }
0x48: {  	_ =	shalt  }
0x49: {  	_ =	shalt  }
0x4a: {  	_ =	shalt  }
0x4b: {  	_ =	shalt  }
0x4c: {  	_ =	shalt  }
0x4d: {  	_ =	shalt  }
0x4e: {  	_ =	shalt  }
0x4f: {  	_ =	shalt  }
0x50: {  	_ =	shalt  }
0x51: {  	_ =	shalt  }
0x52: {  	_ =	shalt  }
0x53: {  	_ =	shalt  }
0x54: {  	_ =	shalt  }
0x55: {  	_ =	shalt  }
0x56: {  	_ =	shalt  }
0x57: {  	_ =	shalt  }
0x58: {  	_ =	shalt  }
0x59: {  	_ =	shalt  }
0x5a: {  	_ =	shalt  }
0x5b: {  	_ =	shalt  }
0x5c: {  	_ =	shalt  }
0x5d: {  	_ =	shalt  }
0x5e: {  	_ =	shalt  }
0x5f: {  	_ =	shalt  }
0x60: {  	_ =	shalt  }
0x61: {  	_ =	shalt  }
0x62: {  	_ =	shalt  }
0x63: {  	_ =	shalt  }
0x64: {  	_ =	shalt  }
0x65: {  	_ =	shalt  }
0x66: {  	_ =	shalt  }
0x67: {  	_ =	shalt  }
0x68: {  	_ =	shalt  }
0x69: {  	_ =	shalt  }
0x6a: {  	_ =	shalt  }
0x6b: {  	_ =	shalt  }
0x6c: {  	_ =	shalt  }
0x6d: {  	_ =	shalt  }
0x6e: {  	_ =	shalt  }
0x6f: {  	_ =	shalt  }
0x70: {  	_ =	shalt  }
0x71: {  	_ =	shalt  }
0x72: {  	_ =	shalt  }
0x73: {  	_ =	shalt  }
0x74: {  	_ =	shalt  }
0x75: {  	_ =	shalt  }
0x76: {  	_ =	shalt  }
0x77: {  	_ =	shalt  }
0x78: {  	_ =	shalt  }
0x79: {  	_ =	shalt  }
0x7a: {  	_ =	shalt  }
0x7b: {  	_ =	shalt  }
0x7c: {  	_ =	shalt  }
0x7d: {  	_ =	shalt  }
0x7e: {  	_ =	shalt  }
0x7f: {  	_ =	shalt  }
0x80: {  	_ =	shalt  }
0x81: {  	_ =	shalt  }
0x82: {  	_ =	shalt  }
0x83: {  	_ =	shalt  }
0x84: {  	_ =	shalt  }
0x85: {  	_ =	shalt  }
0x86: {  	_ =	shalt  }
0x87: {  	_ =	shalt  }
.Lfunc_end0:
.L_simem_size_0:
called_computation_lowered:
.L_overlay_start_0:
0x88: {  	s2 =	sld [smem:$0x3FD9]  }
0x89: {  	s3 =	sld [smem:$0x3FFE];
	_ =	sdelay $0x1  }
0x8a: {  	s1 =	srdreg.scid  }
0x8b: {  	s0 =	sand.u32 $0x1, s1  }
0x8c: {  	s16 =	sshll.u32 s0, $0xA;
	s2 =	sadd.s32 s3, s2  }
0x8d: {  	s2 =	sadd.s32 s2, s16  }
0x8e: {  	[smem:$0x3FC1] =	sst s2  }
0x8f: {  	_ = 	snop  }
0x90: {  	(tm) =	ssettm $0x1  }
0x91: {  	s17 =	sld [smem:$0x3FFB];
	_ =	sdelay $0x3  }
0x92: {  	_ =	strace s17  }
0x93: {  	s2 =	sld [smem:$0x3FFC];
	_ =	sdelay $0x3  }
0x94: {  	_ =	strace s2  }
0x95: {  	s2 =	sld [smem:$0x3FFD];
	_ =	sdelay $0x3  }
0x96: {  	_ =	strace s2  }
0x97: {  	_ =	strace $0x8FFFFFFF  }
0x98: {  	s18 =	sld [smem:$0x3FDB];
	_ =	sdelay $0x1  }
0x99: {  	s19 =	simm.s32 $_scs_section_size  }
0x9a: {  	s4 =	simm.s32 $_size__tile_overlayer_lowered;
	s5 =	simm.s32 $_tile_overlayer_lowered  }
0x9b: {  	s22 =	simm.s32 $0x1BFF;
	s21 =	sshll.u32 s5, $0x1;
	s2 =	sadd.s32 s19, s18  }
0x9c: {  	s6 =	simm.s32 $0x0;
	s20 =	sshll.u32 s4, $0x1;
	s4 =	sadd.s32 s21, s2  }
0x9d: {  	[timem:s6], [sflag:s22] =	dma.local [hbm:s4], s20  }
0x9e: {  	_ =	swait.ge [sflag:s22], s20  }
0x9f: {  	s3 =	ssub.s32 $0x0, s20;
	[sflag:s22] =	ssyncset.done $0x0  }
0xa0: {  	[sflag:s22] =	ssyncadd.s32 s3;
	_ =	sdelay $0x1  }
0xa1: {  	s23 =	simm.s32 $0x1B8B  }
0xa2: {  	_ =	swait.ge [sflag:s23], $0x1  }
0xa3: {  	[sflag:s23] =	ssyncset.done $0x0  }
0xa4: {  	s25 =	simm.s32 $0x1B8E;
	s24 =	sld [smem:$0x3FFE];
	[sflag:s23] =	ssyncadd.s32 $0xFFFFFFFF  }
0xa5: {  	s26 =	simm.s32 $execute0_lowered;
	[smem:$0x3FD2] =	sst s25  }
0xa6: {  	s4 =	sshll.u32 s26, $0x1;
	_ =	strace $0x80000046;
	[dreg:$0x1] =	wrdreg $0xFFFFFFFF  }
0xa7: {  	s28 =	simm.s32 $_size_execute0_lowered;
	s2 =	sadd.s32 s2, s4;
	[dreg:$0x0] =	wrdreg $0x0  }
0xa8: {  	s4 =	sshll.u32 s28, $0x1;
	[dreg:$0x2] =	wrdreg s2  }
0xa9: {  	[dreg:$0x3] =	wrdreg s4  }
0xaa: {  	[dreg:$0x4] =	wrdreg $0xC0  }
0xab: {  	_ =	task [dreg:s6], $0x5FFFF  }
0xac: {  	[dreg:$0x1] =	wrdreg $0xFFFFFFFF  }
0xad: {  	[dreg:$0x0] =	wrdreg $0x60  }
0xae: {  	[dreg:$0x2] =	wrdreg s24  }
0xaf: {  	[dreg:$0x3] =	wrdreg $0x9  }
0xb0: {  	_ =	task.clear_ibuf [dreg:s6], $0x4FFFF;
	_ =	strace $0x90000046  }
0xb1: {  	s29 =	simm.s32 $0x9;
	_ =	strace $0x80000048  }
0xb2: {  	_ =	swait.ge [sflag:s29], $0x1  }
0xb3: {  	[sflag:s29] =	ssyncadd.s32 $0xFFFFFFFF  }
0xb4: {  	_ =	strace $0x90000048  }
0xb5: {  	_ =	sfence  }
0xb6: {  	s30 =	sld [smem:$0x0];
	_ =	sdelay $0x2  }
0xb7: {  	s31 =	sshll.u32 s1, $0xD;
	s1 =	sshrl.u32 s1, $0x2  }
0xb8: {  	s3 =	sand.u32 $0x4000, s31;
	s1 =	sadd.s32 s1, s30  }
0xb9: {  	s0 =	sor.u32 s3, s0;
	s1 =	sshll.u32 s1, $0x11  }
0xba: {  	s0 =	sor.u32 s1, s0  }
0xbb: {  	s0 =	sadd.s32 $0x8F2B, s0  }
0xbc: {  	[sflag:s0] =	ssyncadd.remote.s32 $0x1  }
0xbd: {  	_ =	sfence.sel $0xFFFF  }
0xbe: {  	[dreg:$0x0] =	wrdreg $0xFFFFFFFF;
	(pc) =	sbr.abs _section_cstart, $3  }
0xbf: {  	[dreg:$0x1] =	wrdreg $0xFFFFFFFF  }
0xc0: {  	_ =	task.clear_ibuf [dreg:s6], $0x2FFFF;
	_ =	strace $0x9FFFFFFF  }
0xc1: {  	(tm) =	ssettm $0x7FFFFFFF  }
tec
execute0_lowered:
.L_overlay_start_1:
0x0: {  	(tag) =	ssettag $0x1  }
0x1: {  	s1 =	srdreg.scid  }
0x2: {  	s0 =	stileid.u32;
	s5 =	rddreg [dreg:$0x0];
	s2 =	simm.s32 $0x0  }
0x3: {  	s23 =	simm.s32 $0x2800;
	s24 =	simm.s32 $0x3800;
	s26 =	simm.s32 $0x4800  }
0x4: {  	s28 =	simm.s32 $0x5800;
	s29 =	simm.s32 $0x6800;
	s30 =	simm.s32 $0x7800  }
0x5: {  	s31 =	simm.s32 $0x8800;
	s10 =	simm.s32 $0x9800;
	s11 =	simm.s32 $0xA800  }
0x6: {  	s12 =	simm.s32 $0xB800;
	s4 =	sand.u32 $0x1, s1;
	s1 =	rddreg [dreg:$0x1]  }
0x7: {  	s13 =	simm.s32 $0xC800;
	s14 =	simm.s32 $0xD800;
	[smem:$0x7FF] =	sst s2  }
0x8: {  	s15 =	simm.s32 $0xE800;
	_ =	strace $0x80000047;
	[dreg:$0x4] =	wrdreg s23  }
0x9: {  	s16 =	simm.s32 $0xF800;
	s17 =	simm.s32 $0x10800;
	[dreg:$0x5] =	wrdreg s24  }
0xa: {  	s18 =	simm.s32 $0x2;
	s3 =	smul.u32 $0x60000, s0;
	[dreg:$0x6] =	wrdreg s26  }
0xb: {  	s19 =	simm.s32 $0x3;
	s7 =	smul.u32 $0x60, s0;
	[dreg:$0x7] =	wrdreg s28  }
0xc: {  	s8 =	sshll.u32 s0, $0x1;
	s6 =	smul.u32 $0x30000, s4;
	[dreg:$0x8] =	wrdreg s29  }
0xd: {  	s21 =	sadd.s32 $0x3E7200, s5;
	s9 =	smul.u32 $0x30, s4;
	[dreg:$0x9] =	wrdreg s30  }
0xe: {  	s8 =	sor.u32 s4, s8;
	s4 =	ssub.s32 $0x2, s4;
	[dreg:$0xa] =	wrdreg s31  }
0xf: {  	s8 =	smul.u32 $0x300, s8;
	s25 =	sshrl.u32 s4, $0x1;
	s3 =	sadd.s32 s6, s3  }
0x10: {  	s20 =	sadd.s32 s9, s7;
	s7 =	simm.s32 $0x80;
	s9 =	simm.s32 $0x1  }
0x11: {  	s3 =	sshrl.u32 s3, $0x3;
	s6 =	sshll.u32 s20, $0x9;
	s22 =	sadd.s32 s8, s5  }
0x12: {  	s8 =	simm.s32 $0x1800;
	s3 =	sadd.s32 s3, s21;
	s6 =	sadd.s32 s6, s21  }
0x13: {  	s20 =	simm.s32 $0x0;
	[dreg:$0x2] =	wrdreg s3;
	s6 =	sadd.s32 $0x1000, s6  }
0x14: {  	s3 =	sadd.s32 $0x1200, s5;
	[dreg:$0x3] =	wrdreg s6;
	s6 =	ssub.s32 s4, s25  }
0x15: {  	s4 =	sadd.s32 $0x3E1200, s22;
	s5 =	smax.u32 s6, $0x1;
	s6 =	simm.s32 $0x4  }
.LBB2_1:
0x16: {  	[tilespmem:s2], [sflag:$0x4] =	stream.linear.gather [hbm4b:s4+s2], $0x1800, $0x38;
	[tilespmem:$0x11800] =	vst v63  }
0x17: {  	_ =	swait.ge [sflag:s6], $0x1800  }
0x18: {  	p0 =	por $0x1, $0x1;
	[sflag:s6] =	ssyncset.done $0x0  }
0x19: {  	s21 =	simm.s32 @!p0 $0x2;
	[sflag:s6] =	ssyncadd.s32 $0xFFFFE800  }
0x1a: {  	_ =	swait.ge @!p0 [sflag:s21], $0x8000  }
0x1b: {  	[sflag:s21] =	ssyncset.done @!p0 $0x0  }
0x1c: {  	s25 =	simm.s32 $0x0;
	[sflag:s21] =	ssyncadd.s32 @!p0 $0xFFFF8000  }
0x1d: {  	[tilespmem:s8], [sflag:$0x1] =	stream.indirect.gather [hbm4b:s3+s7], $0x20, s25, s7, $0xb8;
	[tilespmem:$0x11800] =	vst v63  }
0x1e: {  	s26 =	simm.s32 $0x80;
	s22 =	rddreg [dreg:$0x4]  }
0x1f: {  	[tilespmem:s22], [sflag:$0x1] =	stream.indirect.gather [hbm4b:s3+s7], $0x20, s26, s7, $0xb8;
	[tilespmem:$0x11800] =	vst v63  }
0x20: {  	s28 =	simm.s32 $0x100;
	s23 =	rddreg [dreg:$0x5]  }
0x21: {  	[tilespmem:s23], [sflag:$0x1] =	stream.indirect.gather [hbm4b:s3+s7], $0x20, s28, s7, $0xb8;
	[tilespmem:$0x11800] =	vst v63  }
0x22: {  	s30 =	simm.s32 $0x180;
	s29 =	rddreg [dreg:$0x6]  }
0x23: {  	[tilespmem:s29], [sflag:$0x1] =	stream.indirect.gather [hbm4b:s3+s7], $0x20, s30, s7, $0xb8;
	[tilespmem:$0x11800] =	vst v63  }
0x24: {  	s24 =	simm.s32 $0x200;
	s31 =	rddreg [dreg:$0x7]  }
0x25: {  	[tilespmem:s31], [sflag:$0x1] =	stream.indirect.gather [hbm4b:s3+s7], $0x20, s24, s7, $0xb8;
	[tilespmem:$0x11800] =	vst v63  }
0x26: {  	s25 =	rddreg [dreg:$0x8];
	s26 =	simm.s32 $0x280  }
0x27: {  	[tilespmem:s25], [sflag:$0x1] =	stream.indirect.gather [hbm4b:s3+s7], $0x20, s26, s7, $0xb8;
	[tilespmem:$0x11800] =	vst v63  }
0x28: {  	s28 =	rddreg [dreg:$0x9];
	s29 =	simm.s32 $0x300  }
0x29: {  	[tilespmem:s28], [sflag:$0x1] =	stream.indirect.gather [hbm4b:s3+s7], $0x20, s29, s7, $0xb8;
	[tilespmem:$0x11800] =	vst v63  }
0x2a: {  	s30 =	rddreg [dreg:$0xa];
	s31 =	simm.s32 $0x380  }
0x2b: {  	[tilespmem:s30], [sflag:$0x1] =	stream.indirect.gather [hbm4b:s3+s7], $0x20, s31, s7, $0xb8;
	[tilespmem:$0x11800] =	vst v63  }
0x2c: {  	_ =	swait.ge [sflag:s9], $0x1000  }
0x2d: {  	[sflag:s9] =	ssyncset.done $0x0  }
0x2e: {  	[sflag:s9] =	ssyncadd.s32 $0xFFFFF000  }
0x2f: {  	_ =	swait.ge [sflag:s9], $0x1000  }
0x30: {  	[sflag:s9] =	ssyncset.done $0x0  }
0x31: {  	[sflag:s9] =	ssyncadd.s32 $0xFFFFF000  }
0x32: {  	_ =	swait.ge [sflag:s9], $0x1000  }
0x33: {  	[sflag:s9] =	ssyncset.done $0x0  }
0x34: {  	[sflag:s9] =	ssyncadd.s32 $0xFFFFF000  }
0x35: {  	_ =	swait.ge [sflag:s9], $0x1000  }
0x36: {  	[sflag:s9] =	ssyncset.done $0x0  }
0x37: {  	[sflag:s9] =	ssyncadd.s32 $0xFFFFF000  }
0x38: {  	_ =	swait.ge [sflag:s9], $0x1000  }
0x39: {  	[sflag:s9] =	ssyncset.done $0x0  }
0x3a: {  	[sflag:s9] =	ssyncadd.s32 $0xFFFFF000  }
0x3b: {  	_ =	swait.ge [sflag:s9], $0x1000  }
0x3c: {  	[sflag:s9] =	ssyncset.done $0x0  }
0x3d: {  	[sflag:s9] =	ssyncadd.s32 $0xFFFFF000  }
0x3e: {  	_ =	swait.ge [sflag:s9], $0x1000  }
0x3f: {  	[sflag:s9] =	ssyncset.done $0x0  }
0x40: {  	[sflag:s9] =	ssyncadd.s32 $0xFFFFF000  }
0x41: {  	_ =	swait.ge [sflag:s9], $0x1000  }
0x42: {  	s22 =	rddreg [dreg:$0x2];
	[sflag:s9] =	ssyncset.done $0x0  }
0x43: {  	[sflag:s9] =	ssyncadd.s32 $0xFFFFF000;
	s21 =	sadd.s32 $0x0, s22;
	s22 =	simm.s32 @!p0 $0x3  }
0x44: {  	[hbm4b:s21+s2] =	stream.linear.scatter [tilespmem:s8], [sflag:$0x2], $0x8000, $0x38;
	[tilespmem:$0x11800] =	vst v63  }
0x45: {  	_ =	swait.ge @!p0 [sflag:s22], $0x8000  }
0x46: {  	[sflag:s22] =	ssyncset.done @!p0 $0x0  }
0x47: {  	s23 =	simm.s32 $0x400;
	[sflag:s22] =	ssyncadd.s32 @!p0 $0xFFFF8000  }
0x48: {  	[tilespmem:s10], [sflag:$0x1] =	stream.indirect.gather [hbm4b:s3+s7], $0x20, s23, s7, $0xb8;
	[tilespmem:$0x11800] =	vst v63  }
0x49: {  	s24 =	simm.s32 $0x480  }
0x4a: {  	[tilespmem:s11], [sflag:$0x1] =	stream.indirect.gather [hbm4b:s3+s7], $0x20, s24, s7, $0xb8;
	[tilespmem:$0x11800] =	vst v63  }
0x4b: {  	s25 =	simm.s32 $0x500  }
0x4c: {  	[tilespmem:s12], [sflag:$0x1] =	stream.indirect.gather [hbm4b:s3+s7], $0x20, s25, s7, $0xb8;
	[tilespmem:$0x11800] =	vst v63  }
0x4d: {  	s26 =	simm.s32 $0x580  }
0x4e: {  	[tilespmem:s13], [sflag:$0x1] =	stream.indirect.gather [hbm4b:s3+s7], $0x20, s26, s7, $0xb8;
	[tilespmem:$0x11800] =	vst v63  }
0x4f: {  	s28 =	simm.s32 $0x600  }
0x50: {  	[tilespmem:s14], [sflag:$0x1] =	stream.indirect.gather [hbm4b:s3+s7], $0x20, s28, s7, $0xb8;
	[tilespmem:$0x11800] =	vst v63  }
0x51: {  	s29 =	simm.s32 $0x680  }
0x52: {  	[tilespmem:s15], [sflag:$0x1] =	stream.indirect.gather [hbm4b:s3+s7], $0x20, s29, s7, $0xb8;
	[tilespmem:$0x11800] =	vst v63  }
0x53: {  	s30 =	simm.s32 $0x700  }
0x54: {  	[tilespmem:s16], [sflag:$0x1] =	stream.indirect.gather [hbm4b:s3+s7], $0x20, s30, s7, $0xb8;
	[tilespmem:$0x11800] =	vst v63  }
0x55: {  	s31 =	simm.s32 $0x780  }
0x56: {  	[tilespmem:s17], [sflag:$0x1] =	stream.indirect.gather [hbm4b:s3+s7], $0x20, s31, s7, $0xb8;
	[tilespmem:$0x11800] =	vst v63  }
0x57: {  	_ =	swait.ge [sflag:s9], $0x1000  }
0x58: {  	[sflag:s9] =	ssyncset.done $0x0  }
0x59: {  	[sflag:s9] =	ssyncadd.s32 $0xFFFFF000  }
0x5a: {  	_ =	swait.ge [sflag:s9], $0x1000  }
0x5b: {  	[sflag:s9] =	ssyncset.done $0x0  }
0x5c: {  	[sflag:s9] =	ssyncadd.s32 $0xFFFFF000  }
0x5d: {  	_ =	swait.ge [sflag:s9], $0x1000  }
0x5e: {  	[sflag:s9] =	ssyncset.done $0x0  }
0x5f: {  	[sflag:s9] =	ssyncadd.s32 $0xFFFFF000  }
0x60: {  	_ =	swait.ge [sflag:s9], $0x1000  }
0x61: {  	[sflag:s9] =	ssyncset.done $0x0  }
0x62: {  	[sflag:s9] =	ssyncadd.s32 $0xFFFFF000  }
0x63: {  	_ =	swait.ge [sflag:s9], $0x1000  }
0x64: {  	[sflag:s9] =	ssyncset.done $0x0  }
0x65: {  	[sflag:s9] =	ssyncadd.s32 $0xFFFFF000  }
0x66: {  	_ =	swait.ge [sflag:s9], $0x1000  }
0x67: {  	[sflag:s9] =	ssyncset.done $0x0  }
0x68: {  	[sflag:s9] =	ssyncadd.s32 $0xFFFFF000  }
0x69: {  	_ =	swait.ge [sflag:s9], $0x1000  }
0x6a: {  	[sflag:s9] =	ssyncset.done $0x0  }
0x6b: {  	[sflag:s9] =	ssyncadd.s32 $0xFFFFF000  }
0x6c: {  	p1 =	por $0x0, $0x0;
	_ =	swait.ge [sflag:s9], $0x1000  }
0x6d: {  	s21 =	simm.s32 $0x2000;
	s22 =	simm.s32 $0x4000;
	[sflag:s9] =	ssyncset.done $0x0  }
0x6e: {  	s23 =	simm.s32 $0x0;
	s24 =	rddreg [dreg:$0x3];
	[sflag:s9] =	ssyncadd.s32 $0xFFFFF000  }
.LBB2_2:
0x6f: {  	s25 =	simm.s32 @!p1 $0x2;
	s24 =	sadd.s32 s23, s24  }
0x70: {  	[hbm4b:s24+s2] =	stream.linear.scatter [tilespmem:s10], [sflag:$0x3], $0x8000, $0x38;
	[tilespmem:$0x11800] =	vst v63  }
0x71: {  	_ =	swait.ge @!p1 [sflag:s25], $0x8000  }
0x72: {  	s23 =	smov.u32 s21;
	[sflag:s25] =	ssyncset.done @!p1 $0x0  }
0x73: {  	s24 =	sshra.s32 s23, $0x2;
	[sflag:s25] =	ssyncadd.s32 @!p1 $0xFFFF8000  }
0x74: {  	[tilespmem:s8], [sflag:$0x1] =	stream.indirect.gather [hbm4b:s3+s7], $0x20, s24, s7, $0xb8;
	[tilespmem:$0x11800] =	vst v63  }
0x75: {  	s26 =	sadd.s32 $0x80, s24;
	s31 =	rddreg [dreg:$0x4]  }
0x76: {  	[tilespmem:s31], [sflag:$0x1] =	stream.indirect.gather [hbm4b:s3+s7], $0x20, s26, s7, $0xb8;
	[tilespmem:$0x11800] =	vst v63  }
0x77: {  	s28 =	rddreg [dreg:$0x5];
	s26 =	sadd.s32 $0x100, s24  }
0x78: {  	[tilespmem:s28], [sflag:$0x1] =	stream.indirect.gather [hbm4b:s3+s7], $0x20, s26, s7, $0xb8;
	[tilespmem:$0x11800] =	vst v63  }
0x79: {  	s30 =	sadd.s32 $0x180, s24;
	s29 =	rddreg [dreg:$0x6]  }
0x7a: {  	[tilespmem:s29], [sflag:$0x1] =	stream.indirect.gather [hbm4b:s3+s7], $0x20, s30, s7, $0xb8;
	[tilespmem:$0x11800] =	vst v63  }
0x7b: {  	s31 =	rddreg [dreg:$0x7];
	s29 =	sadd.s32 $0x200, s24  }
0x7c: {  	[tilespmem:s31], [sflag:$0x1] =	stream.indirect.gather [hbm4b:s3+s7], $0x20, s29, s7, $0xb8;
	[tilespmem:$0x11800] =	vst v63  }
0x7d: {  	s30 =	rddreg [dreg:$0x8];
	s31 =	sadd.s32 $0x280, s24  }
0x7e: {  	[tilespmem:s30], [sflag:$0x1] =	stream.indirect.gather [hbm4b:s3+s7], $0x20, s31, s7, $0xb8;
	[tilespmem:$0x11800] =	vst v63  }
0x7f: {  	s29 =	rddreg [dreg:$0x9];
	s30 =	sadd.s32 $0x300, s24  }
0x80: {  	[tilespmem:s29], [sflag:$0x1] =	stream.indirect.gather [hbm4b:s3+s7], $0x20, s30, s7, $0xb8;
	[tilespmem:$0x11800] =	vst v63  }
0x81: {  	s28 =	sadd.s32 $0x380, s24;
	s31 =	rddreg [dreg:$0xa]  }
0x82: {  	[tilespmem:s31], [sflag:$0x1] =	stream.indirect.gather [hbm4b:s3+s7], $0x20, s28, s7, $0xb8;
	[tilespmem:$0x11800] =	vst v63  }
0x83: {  	_ =	swait.ge [sflag:s9], $0x1000  }
0x84: {  	[sflag:s9] =	ssyncset.done $0x0  }
0x85: {  	[sflag:s9] =	ssyncadd.s32 $0xFFFFF000  }
0x86: {  	_ =	swait.ge [sflag:s9], $0x1000  }
0x87: {  	[sflag:s9] =	ssyncset.done $0x0  }
0x88: {  	[sflag:s9] =	ssyncadd.s32 $0xFFFFF000  }
0x89: {  	_ =	swait.ge [sflag:s9], $0x1000  }
0x8a: {  	[sflag:s9] =	ssyncset.done $0x0  }
0x8b: {  	[sflag:s9] =	ssyncadd.s32 $0xFFFFF000  }
0x8c: {  	_ =	swait.ge [sflag:s9], $0x1000  }
0x8d: {  	[sflag:s9] =	ssyncset.done $0x0  }
0x8e: {  	[sflag:s9] =	ssyncadd.s32 $0xFFFFF000  }
0x8f: {  	_ =	swait.ge [sflag:s9], $0x1000  }
0x90: {  	[sflag:s9] =	ssyncset.done $0x0  }
0x91: {  	[sflag:s9] =	ssyncadd.s32 $0xFFFFF000  }
0x92: {  	_ =	swait.ge [sflag:s9], $0x1000  }
0x93: {  	[sflag:s9] =	ssyncset.done $0x0  }
0x94: {  	[sflag:s9] =	ssyncadd.s32 $0xFFFFF000  }
0x95: {  	_ =	swait.ge [sflag:s9], $0x1000  }
0x96: {  	[sflag:s9] =	ssyncset.done $0x0  }
0x97: {  	[sflag:s9] =	ssyncadd.s32 $0xFFFFF000  }
0x98: {  	_ =	swait.ge [sflag:s9], $0x1000  }
0x99: {  	s29 =	rddreg [dreg:$0x2];
	[sflag:s9] =	ssyncset.done $0x0  }
0x9a: {  	s26 =	simm.s32 @!p1 $0x3;
	[sflag:s9] =	ssyncadd.s32 $0xFFFFF000;
	s25 =	sadd.s32 s23, s29  }
0x9b: {  	[hbm4b:s25+s2] =	stream.linear.scatter [tilespmem:s8], [sflag:$0x2], $0x8000, $0x38;
	[tilespmem:$0x11800] =	vst v63  }
0x9c: {  	_ =	swait.ge @!p1 [sflag:s26], $0x8000  }
0x9d: {  	[sflag:s26] =	ssyncset.done @!p1 $0x0  }
0x9e: {  	s30 =	sadd.s32 $0x400, s24;
	[sflag:s26] =	ssyncadd.s32 @!p1 $0xFFFF8000  }
0x9f: {  	[tilespmem:s10], [sflag:$0x1] =	stream.indirect.gather [hbm4b:s3+s7], $0x20, s30, s7, $0xb8;
	[tilespmem:$0x11800] =	vst v63  }
0xa0: {  	s31 =	sadd.s32 $0x480, s24  }
0xa1: {  	[tilespmem:s11], [sflag:$0x1] =	stream.indirect.gather [hbm4b:s3+s7], $0x20, s31, s7, $0xb8;
	[tilespmem:$0x11800] =	vst v63  }
0xa2: {  	s26 =	sadd.s32 $0x500, s24  }
0xa3: {  	[tilespmem:s12], [sflag:$0x1] =	stream.indirect.gather [hbm4b:s3+s7], $0x20, s26, s7, $0xb8;
	[tilespmem:$0x11800] =	vst v63  }
0xa4: {  	s28 =	sadd.s32 $0x580, s24  }
0xa5: {  	[tilespmem:s13], [sflag:$0x1] =	stream.indirect.gather [hbm4b:s3+s7], $0x20, s28, s7, $0xb8;
	[tilespmem:$0x11800] =	vst v63  }
0xa6: {  	s29 =	sadd.s32 $0x600, s24  }
0xa7: {  	[tilespmem:s14], [sflag:$0x1] =	stream.indirect.gather [hbm4b:s3+s7], $0x20, s29, s7, $0xb8;
	[tilespmem:$0x11800] =	vst v63  }
0xa8: {  	s30 =	sadd.s32 $0x680, s24  }
0xa9: {  	[tilespmem:s15], [sflag:$0x1] =	stream.indirect.gather [hbm4b:s3+s7], $0x20, s30, s7, $0xb8;
	[tilespmem:$0x11800] =	vst v63  }
0xaa: {  	s31 =	sadd.s32 $0x700, s24  }
0xab: {  	[tilespmem:s16], [sflag:$0x1] =	stream.indirect.gather [hbm4b:s3+s7], $0x20, s31, s7, $0xb8;
	[tilespmem:$0x11800] =	vst v63  }
0xac: {  	s24 =	sadd.s32 $0x780, s24  }
0xad: {  	[tilespmem:s17], [sflag:$0x1] =	stream.indirect.gather [hbm4b:s3+s7], $0x20, s24, s7, $0xb8;
	[tilespmem:$0x11800] =	vst v63  }
0xae: {  	_ =	swait.ge [sflag:s9], $0x1000  }
0xaf: {  	[sflag:s9] =	ssyncset.done $0x0  }
0xb0: {  	[sflag:s9] =	ssyncadd.s32 $0xFFFFF000  }
0xb1: {  	_ =	swait.ge [sflag:s9], $0x1000  }
0xb2: {  	[sflag:s9] =	ssyncset.done $0x0  }
0xb3: {  	[sflag:s9] =	ssyncadd.s32 $0xFFFFF000  }
0xb4: {  	_ =	swait.ge [sflag:s9], $0x1000  }
0xb5: {  	[sflag:s9] =	ssyncset.done $0x0  }
0xb6: {  	[sflag:s9] =	ssyncadd.s32 $0xFFFFF000  }
0xb7: {  	_ =	swait.ge [sflag:s9], $0x1000  }
0xb8: {  	[sflag:s9] =	ssyncset.done $0x0  }
0xb9: {  	[sflag:s9] =	ssyncadd.s32 $0xFFFFF000  }
0xba: {  	_ =	swait.ge [sflag:s9], $0x1000  }
0xbb: {  	[sflag:s9] =	ssyncset.done $0x0  }
0xbc: {  	[sflag:s9] =	ssyncadd.s32 $0xFFFFF000  }
0xbd: {  	_ =	swait.ge [sflag:s9], $0x1000  }
0xbe: {  	[sflag:s9] =	ssyncset.done $0x0  }
0xbf: {  	s21 =	smov.u32 s22;
	s22 =	sadd.s32 $0x2000, s22;
	[sflag:s9] =	ssyncadd.s32 $0xFFFFF000  }
0xc0: {  	p0 =	sne.s32 s22, $0x6000;
	_ =	swait.ge [sflag:s9], $0x1000  }
.Ltmp0:
0xc1: {  	[sflag:s9] =	ssyncset.done $0x0;
	(pc) =	sbr.rel @p0 .LBB2_2-.Ltmp0, $4  }
0xc2: {  	[sflag:s9] =	ssyncadd.s32 $0xFFFFF000  }
0xc3: {  	_ =	swait.ge [sflag:s9], $0x1000  }
0xc4: {  	[sflag:s9] =	ssyncset.done $0x0  }
0xc5: {  	p1 =	seq.s32 s21, $0x0;
	s24 =	rddreg [dreg:$0x3];
	[sflag:s9] =	ssyncadd.s32 $0xFFFFF000  }
0xc6: {  	s22 =	simm.s32 @!p1 $0x2;
	s23 =	sadd.s32 s23, s24  }
0xc7: {  	[hbm4b:s23+s2] =	stream.linear.scatter [tilespmem:s10], [sflag:$0x3], $0x8000, $0x38;
	[tilespmem:$0x11800] =	vst v63  }
0xc8: {  	_ =	swait.ge @!p1 [sflag:s22], $0x8000  }
0xc9: {  	[sflag:s22] =	ssyncset.done @!p1 $0x0  }
0xca: {  	[sflag:s22] =	ssyncadd.s32 @!p1 $0xFFFF8000;
	s22 =	sshra.s32 s21, $0x2  }
0xcb: {  	[tilespmem:s8], [sflag:$0x1] =	stream.indirect.gather [hbm4b:s3+s7], $0x20, s22, s7, $0xb8;
	[tilespmem:$0x11800] =	vst v63  }
0xcc: {  	s28 =	rddreg [dreg:$0x4];
	s29 =	sadd.s32 $0x80, s22  }
0xcd: {  	[tilespmem:s28], [sflag:$0x1] =	stream.indirect.gather [hbm4b:s3+s7], $0x20, s29, s7, $0xb8;
	[tilespmem:$0x11800] =	vst v63  }
0xce: {  	s25 =	rddreg [dreg:$0x5];
	s30 =	sadd.s32 $0x100, s22  }
0xcf: {  	[tilespmem:s25], [sflag:$0x1] =	stream.indirect.gather [hbm4b:s3+s7], $0x20, s30, s7, $0xb8;
	[tilespmem:$0x11800] =	vst v63  }
0xd0: {  	s31 =	rddreg [dreg:$0x6];
	s25 =	sadd.s32 $0x180, s22  }
0xd1: {  	[tilespmem:s31], [sflag:$0x1] =	stream.indirect.gather [hbm4b:s3+s7], $0x20, s25, s7, $0xb8;
	[tilespmem:$0x11800] =	vst v63  }
0xd2: {  	s26 =	rddreg [dreg:$0x7];
	s28 =	sadd.s32 $0x200, s22  }
0xd3: {  	[tilespmem:s26], [sflag:$0x1] =	stream.indirect.gather [hbm4b:s3+s7], $0x20, s28, s7, $0xb8;
	[tilespmem:$0x11800] =	vst v63  }
0xd4: {  	s29 =	rddreg [dreg:$0x8];
	s30 =	sadd.s32 $0x280, s22  }
0xd5: {  	[tilespmem:s29], [sflag:$0x1] =	stream.indirect.gather [hbm4b:s3+s7], $0x20, s30, s7, $0xb8;
	[tilespmem:$0x11800] =	vst v63  }
0xd6: {  	s24 =	sadd.s32 $0x300, s22;
	s31 =	rddreg [dreg:$0x9]  }
0xd7: {  	[tilespmem:s31], [sflag:$0x1] =	stream.indirect.gather [hbm4b:s3+s7], $0x20, s24, s7, $0xb8;
	[tilespmem:$0x11800] =	vst v63  }
0xd8: {  	s26 =	rddreg [dreg:$0xa];
	s28 =	sadd.s32 $0x380, s22  }
0xd9: {  	[tilespmem:s26], [sflag:$0x1] =	stream.indirect.gather [hbm4b:s3+s7], $0x20, s28, s7, $0xb8;
	[tilespmem:$0x11800] =	vst v63  }
0xda: {  	_ =	swait.ge [sflag:s9], $0x1000  }
0xdb: {  	[sflag:s9] =	ssyncset.done $0x0  }
0xdc: {  	[sflag:s9] =	ssyncadd.s32 $0xFFFFF000  }
0xdd: {  	_ =	swait.ge [sflag:s9], $0x1000  }
0xde: {  	[sflag:s9] =	ssyncset.done $0x0  }
0xdf: {  	[sflag:s9] =	ssyncadd.s32 $0xFFFFF000  }
0xe0: {  	_ =	swait.ge [sflag:s9], $0x1000  }
0xe1: {  	[sflag:s9] =	ssyncset.done $0x0  }
0xe2: {  	[sflag:s9] =	ssyncadd.s32 $0xFFFFF000  }
0xe3: {  	_ =	swait.ge [sflag:s9], $0x1000  }
0xe4: {  	[sflag:s9] =	ssyncset.done $0x0  }
0xe5: {  	[sflag:s9] =	ssyncadd.s32 $0xFFFFF000  }
0xe6: {  	_ =	swait.ge [sflag:s9], $0x1000  }
0xe7: {  	[sflag:s9] =	ssyncset.done $0x0  }
0xe8: {  	[sflag:s9] =	ssyncadd.s32 $0xFFFFF000  }
0xe9: {  	_ =	swait.ge [sflag:s9], $0x1000  }
0xea: {  	[sflag:s9] =	ssyncset.done $0x0  }
0xeb: {  	[sflag:s9] =	ssyncadd.s32 $0xFFFFF000  }
0xec: {  	_ =	swait.ge [sflag:s9], $0x1000  }
0xed: {  	[sflag:s9] =	ssyncset.done $0x0  }
0xee: {  	[sflag:s9] =	ssyncadd.s32 $0xFFFFF000  }
0xef: {  	_ =	swait.ge [sflag:s9], $0x1000  }
0xf0: {  	s29 =	rddreg [dreg:$0x2];
	[sflag:s9] =	ssyncset.done $0x0  }
0xf1: {  	s24 =	simm.s32 @!p1 $0x3;
	[sflag:s9] =	ssyncadd.s32 $0xFFFFF000;
	s23 =	sadd.s32 s21, s29  }
0xf2: {  	[hbm4b:s23+s2] =	stream.linear.scatter [tilespmem:s8], [sflag:$0x2], $0x8000, $0x38;
	[tilespmem:$0x11800] =	vst v63  }
0xf3: {  	_ =	swait.ge @!p1 [sflag:s24], $0x8000  }
0xf4: {  	[sflag:s24] =	ssyncset.done @!p1 $0x0  }
0xf5: {  	s30 =	sadd.s32 $0x400, s22;
	[sflag:s24] =	ssyncadd.s32 @!p1 $0xFFFF8000  }
0xf6: {  	[tilespmem:s10], [sflag:$0x1] =	stream.indirect.gather [hbm4b:s3+s7], $0x20, s30, s7, $0xb8;
	[tilespmem:$0x11800] =	vst v63  }
0xf7: {  	s31 =	sadd.s32 $0x480, s22  }
0xf8: {  	[tilespmem:s11], [sflag:$0x1] =	stream.indirect.gather [hbm4b:s3+s7], $0x20, s31, s7, $0xb8;
	[tilespmem:$0x11800] =	vst v63  }
0xf9: {  	s24 =	sadd.s32 $0x500, s22  }
0xfa: {  	[tilespmem:s12], [sflag:$0x1] =	stream.indirect.gather [hbm4b:s3+s7], $0x20, s24, s7, $0xb8;
	[tilespmem:$0x11800] =	vst v63  }
0xfb: {  	s25 =	sadd.s32 $0x580, s22  }
0xfc: {  	[tilespmem:s13], [sflag:$0x1] =	stream.indirect.gather [hbm4b:s3+s7], $0x20, s25, s7, $0xb8;
	[tilespmem:$0x11800] =	vst v63  }
0xfd: {  	s26 =	sadd.s32 $0x600, s22  }
0xfe: {  	[tilespmem:s14], [sflag:$0x1] =	stream.indirect.gather [hbm4b:s3+s7], $0x20, s26, s7, $0xb8;
	[tilespmem:$0x11800] =	vst v63  }
0xff: {  	s28 =	sadd.s32 $0x680, s22  }
0x100: {  	[tilespmem:s15], [sflag:$0x1] =	stream.indirect.gather [hbm4b:s3+s7], $0x20, s28, s7, $0xb8;
	[tilespmem:$0x11800] =	vst v63  }
0x101: {  	s29 =	sadd.s32 $0x700, s22  }
0x102: {  	[tilespmem:s16], [sflag:$0x1] =	stream.indirect.gather [hbm4b:s3+s7], $0x20, s29, s7, $0xb8;
	[tilespmem:$0x11800] =	vst v63  }
0x103: {  	s22 =	sadd.s32 $0x780, s22  }
0x104: {  	[tilespmem:s17], [sflag:$0x1] =	stream.indirect.gather [hbm4b:s3+s7], $0x20, s22, s7, $0xb8;
	[tilespmem:$0x11800] =	vst v63  }
0x105: {  	_ =	swait.ge [sflag:s9], $0x1000  }
0x106: {  	[sflag:s9] =	ssyncset.done $0x0  }
0x107: {  	[sflag:s9] =	ssyncadd.s32 $0xFFFFF000  }
0x108: {  	_ =	swait.ge [sflag:s9], $0x1000  }
0x109: {  	[sflag:s9] =	ssyncset.done $0x0  }
0x10a: {  	[sflag:s9] =	ssyncadd.s32 $0xFFFFF000  }
0x10b: {  	_ =	swait.ge [sflag:s9], $0x1000  }
0x10c: {  	[sflag:s9] =	ssyncset.done $0x0  }
0x10d: {  	[sflag:s9] =	ssyncadd.s32 $0xFFFFF000  }
0x10e: {  	_ =	swait.ge [sflag:s9], $0x1000  }
0x10f: {  	[sflag:s9] =	ssyncset.done $0x0  }
0x110: {  	[sflag:s9] =	ssyncadd.s32 $0xFFFFF000  }
0x111: {  	_ =	swait.ge [sflag:s9], $0x1000  }
0x112: {  	[sflag:s9] =	ssyncset.done $0x0  }
0x113: {  	[sflag:s9] =	ssyncadd.s32 $0xFFFFF000  }
0x114: {  	_ =	swait.ge [sflag:s9], $0x1000  }
0x115: {  	[sflag:s9] =	ssyncset.done $0x0  }
0x116: {  	[sflag:s9] =	ssyncadd.s32 $0xFFFFF000  }
0x117: {  	_ =	swait.ge [sflag:s9], $0x1000  }
0x118: {  	[sflag:s9] =	ssyncset.done $0x0  }
0x119: {  	[sflag:s9] =	ssyncadd.s32 $0xFFFFF000  }
0x11a: {  	_ =	swait.ge [sflag:s9], $0x1000  }
0x11b: {  	s30 =	rddreg [dreg:$0x3];
	[sflag:s9] =	ssyncset.done $0x0  }
0x11c: {  	s20 =	sadd.s32 $0x1, s20;
	[sflag:s9] =	ssyncadd.s32 $0xFFFFF000;
	s31 =	sadd.s32 s21, s30  }
0x11d: {  	[hbm4b:s31+s2] =	stream.linear.scatter [tilespmem:s10], [sflag:$0x3], $0x8000, $0x38;
	[tilespmem:$0x11800] =	vst v63  }
0x11e: {  	p0 =	sne.s32 s20, s5;
	_ =	swait.ge [sflag:s18], $0x8000  }
.Ltmp1:
0x11f: {  	[sflag:s18] =	ssyncset.done $0x0;
	(pc) =	sbr.rel @p0 .LBB2_1-.Ltmp1, $4  }
0x120: {  	[sflag:s18] =	ssyncadd.s32 $0xFFFF8000  }
0x121: {  	_ =	swait.ge [sflag:s19], $0x8000  }
0x122: {  	[sflag:s19] =	ssyncset.done $0x0  }
0x123: {  	[sflag:s19] =	ssyncadd.s32 $0xFFFF8000  }
0x124: {  	_ =	sfence.sel $0x180000  }
0x125: {  	[bflag:$0x0] =	sbarrier.arrive $0xFFFF  }
0x126: {  	p0 =	sne.s32 s0, $0x0;
	_ =	strace $0x90000047  }
0x127: {  	s0 =	sadd.s32 @!p0 $0x100000, s1;
	[bflag:$0x2] =	sbarrier.arrive $0xFFFF  }
0x128: {  	[sflag:s0] =	ssyncadd.tile.s32 @!p0 $0x1;
	_ =	shalt  }
.Lfunc_end2:
_tile_overlayer_lowered:
.L_overlay_start_2:
0x129: {  	(tag) =	ssettag $0x2  }
0x12a: {  	s0 =	rddreg [dreg:$0x0];
	s2 =	stileid.u32  }
0x12b: {  	s1 =	rddreg [dreg:$0x1];
	p0 =	sne.s32 s2, $0x0  }
0x12c: {  	s3 =	rddreg [dreg:$0x2];
	[bflag:$0x3] =	sbarrier.arrive $0xFFFF;
	s2 =	simm.s32 @!p0 $0x1C04  }
0x12d: {  	[timem:s3], [sflag:s2] =	dma.local @!p0 [hbm:s0], s1  }
0x12e: {  	s0 =	simm.s32 @!p0 $0x4  }
0x12f: {  	_ =	swait.ge @!p0 [sflag:s0], s1  }
0x130: {  	s1 =	ssub.s32 @!p0 $0x0, s1;
	[sflag:s0] =	ssyncset.done @!p0 $0x0  }
0x131: {  	[sflag:s0] =	ssyncadd.s32 @!p0 s1  }
0x132: {  	[bflag:$0x3] =	sbarrier.arrive $0xFFFF  }
0x133: {  	_ =	shalt  }

</sc_bundles>
